<compile_context>
chip_gen: v7x
topology: tpu7x:2x2x1
jax: 0.10.2.dev20260603
libtpu: 0.0.44.dev20260713+nightly
codegen_flags: <defaults>
</compile_context>

<pallas_src>
import functools

import jax
import jax.numpy as jnp
from jax import lax
from jax.experimental import pallas as pl
from jax.experimental.pallas import tpu as pltpu
from jax.experimental.pallas import tpu_sc as plsc

_NC, _NS, _LANES = 2, 16, 16
_NW = _NC * _NS


def _prep_body(tt_ref, seg2_ref, pe_ref, combo_ref, cidx_ref, oidx_ref):
    seq_len = pe_ref.shape[0]
    batch = tt_ref.shape[0]
    pe = pe_ref[...]
    combo_ref[0:seq_len, :] = pe + seg2_ref[0:1, :]
    combo_ref[seq_len : 2 * seq_len, :] = pe + seg2_ref[1:2, :]
    l_iota = lax.broadcasted_iota(jnp.int32, (batch, seq_len), 1)
    b_iota = lax.broadcasted_iota(jnp.int32, (batch, seq_len), 0)
    cidx_ref[...] = tt_ref[...] * seq_len + l_iota
    oidx_ref[...] = l_iota * batch + b_iota


def _make_sc_gather(n_rows, d_model, chunk):
    rpw = n_rows // _NW
    nch = rpw // chunk
    assert rpw % chunk == 0 and chunk % 8 == 0 and chunk <= 128 and nch % 2 == 0

    mesh = plsc.VectorSubcoreMesh(core_axis_name="c", subcore_axis_name="s")

    @functools.partial(
        pl.kernel,
        out_type=jax.ShapeDtypeStruct((n_rows, d_model), jnp.float32),
        mesh=mesh,
        scratch_types=[
            pltpu.VMEM((rpw,), jnp.int32),
            pltpu.VMEM((rpw,), jnp.int32),
            pltpu.VMEM((nch, chunk), jnp.int32),
            pltpu.VMEM((2, chunk, d_model), jnp.float32),
            pltpu.VMEM((2, chunk, d_model), jnp.float32),
            pltpu.SemaphoreType.DMA,
            pltpu.SemaphoreType.DMA,
            pltpu.SemaphoreType.DMA,
            pltpu.SemaphoreType.DMA,
            pltpu.SemaphoreType.DMA,
            pltpu.SemaphoreType.DMA,
        ],
    )
    def sc_gather(ids_hbm, cidx_hbm, oidx_hbm, token_hbm, combo_hbm, out_hbm,
                  idx_v, cidx_v, oidx_v, tok_buf, add_buf,
                  sem_t0, sem_t1, sem_c0, sem_c1, sem_o0, sem_o1):
        wid = lax.axis_index("s") * _NC + lax.axis_index("c")
        base = wid * rpw
        pltpu.sync_copy(ids_hbm.at[pl.ds(base, rpw)], idx_v)
        pltpu.sync_copy(cidx_hbm.at[pl.ds(base, rpw)], cidx_v)
        pltpu.sync_copy(oidx_hbm.at[wid], oidx_v)

        sem_t = (sem_t0, sem_t1)
        sem_c = (sem_c0, sem_c1)
        sem_o = (sem_o0, sem_o1)

        def issue_gathers(g, s):
            pltpu.async_copy(
                token_hbm.at[idx_v.at[pl.ds(g * chunk, chunk)]],
                tok_buf.at[s], sem_t[s])
            pltpu.async_copy(
                combo_hbm.at[cidx_v.at[pl.ds(g * chunk, chunk)]],
                add_buf.at[s], sem_c[s])

        def wait_gathers(g, s):
            pltpu.make_async_copy(
                token_hbm.at[idx_v.at[pl.ds(g * chunk, chunk)]],
                tok_buf.at[s], sem_t[s]).wait()
            pltpu.make_async_copy(
                combo_hbm.at[cidx_v.at[pl.ds(g * chunk, chunk)]],
                add_buf.at[s], sem_c[s]).wait()

        def issue_scatter(g, s):
            pltpu.async_copy(tok_buf.at[s], out_hbm.at[oidx_v.at[g]], sem_o[s])

        def wait_scatter(g, s):
            pltpu.make_async_copy(
                tok_buf.at[s], out_hbm.at[oidx_v.at[g]], sem_o[s]).wait()

        def add_rows(s):
            def row_body(r, _):
                for j in range(d_model // _LANES):
                    sl = pl.ds(j * _LANES, _LANES)
                    plsc.addupdate(tok_buf.at[s, r, sl], add_buf[s, r, sl])
                return 0

            lax.fori_loop(0, chunk, row_body, 0)

        npair = nch // 2
        issue_gathers(0, 0)

        def pair_body(p, _):
            g0 = p * 2

            @pl.when(p >= 1)
            def _():
                wait_scatter(g0 - 1, 1)
            issue_gathers(g0 + 1, 1)
            wait_gathers(g0, 0)
            add_rows(0)
            issue_scatter(g0, 0)

            @pl.when(p + 1 < npair)
            def _():
                wait_scatter(g0, 0)
                issue_gathers(g0 + 2, 0)
            wait_gathers(g0 + 1, 1)
            add_rows(1)
            issue_scatter(g0 + 1, 1)
            return 0

        lax.fori_loop(0, npair, pair_body, 0)
        wait_scatter(nch - 2, 0)
        wait_scatter(nch - 1, 1)

    return sc_gather


def kernel(input_ids, token_type_ids, token_table, seg_table, pe):
    b, seq_len = input_ids.shape
    d_model = token_table.shape[1]
    n_rows = b * seq_len
    chunk = 40

    tt = token_type_ids.astype(jnp.int32)
    seg2 = seg_table[:2]
    pe_l = pe[:seq_len]

    combo, cidx, oidx = pl.pallas_call(
        _prep_body,
        out_shape=[
            jax.ShapeDtypeStruct((2 * seq_len, d_model), jnp.float32),
            jax.ShapeDtypeStruct((b, seq_len), jnp.int32),
            jax.ShapeDtypeStruct((b, seq_len), jnp.int32),
        ],
    )(tt, seg2, pe_l)

    ids_flat = input_ids.reshape(n_rows).astype(jnp.int32)
    cidx_flat = cidx.reshape(n_rows)
    rpw = n_rows // _NW
    oidx_3d = oidx.reshape(_NW, rpw // chunk, chunk)

    sc_gather = _make_sc_gather(n_rows, d_model, chunk)
    out = sc_gather(ids_flat, cidx_flat, oidx_3d, token_table, combo)
    return out.reshape(seq_len, b, d_model).transpose(1, 0, 2)

# --- scband reference (transcript-rebuilt; emitter-appended) ---
"""Pipeline reference for scband-bert-emb-64596308132440 (READ-ONLY COPY).

The authoritative reference and input builder live on the scoring server;
editing this copy changes nothing except your own understanding.
"""

import jax, jax.numpy as jnp
import numpy as np

VOCAB = 100000
D_MODEL = 512
MAX_LEN = 512
B = 1024
L = 50


def setup_inputs(seed: int = 0) -> dict:
    key = jax.random.key(seed)
    k1, k2, k3, k4, k5 = jax.random.split(key, 5)
    input_ids = jax.random.randint(k1, (B, L), 0, VOCAB, dtype=jnp.int64) if jax.config.jax_enable_x64 else jax.random.randint(k1, (B, L), 0, VOCAB)
    token_type_ids = jax.random.randint(k2, (B, L), 0, 2)
    token_table = jax.random.normal(k3, (VOCAB, D_MODEL), dtype=jnp.float32) * 0.02
    seg_table = jax.random.normal(k4, (VOCAB, D_MODEL), dtype=jnp.float32) * 0.02
    pe = jax.random.normal(k5, (MAX_LEN, D_MODEL), dtype=jnp.float32) * 0.02
    return {
        "input_ids": input_ids,
        "token_type_ids": token_type_ids,
        "token_table": token_table,
        "seg_table": seg_table,
        "pe": pe,
    }


def reference(input_ids, token_type_ids, token_table, seg_table, pe):
    # TokenEmb: embedding gather
    token_emb = jnp.take(token_table, input_ids, axis=0)  # [B, L, D]
    # SegEmb: embedding gather
    segment_emb = jnp.take(seg_table, token_type_ids, axis=0)  # [B, L, D]
    # PosEmb: slice of learned positional table
    seq_len = input_ids.shape[1]
    position_emb = pe[:seq_len, :]  # [L, D]
    embeddings = token_emb + segment_emb + position_emb[None, :, :]
    # dropout is identity in eval/reference mode
    return embeddings

if __name__ == "__main__":
    import jax
    _d = setup_inputs()
    print(jax.jit(kernel)(*tuple(_d.values())))

</pallas_src>

<mosaic_0001>
#map = affine_map<(d0, d1) -> (0)>
#map1 = affine_map<(d0, d1) -> (0, 0, 0)>
#map2 = affine_map<(d0, d1) -> (0, 0)>
module attributes {stable_mosaic.version = 14 : i64} {
  func.func @sc_gather(%arg0: i32, %arg1: i32, %arg2: memref<51200xi32, #tpu.memory_space<hbm>>, %arg3: memref<51200xi32, #tpu.memory_space<hbm>>, %arg4: memref<32x40x40xi32, #tpu.memory_space<hbm>>, %arg5: memref<100000x512xf32, #tpu.memory_space<hbm>>, %arg6: memref<100x512xf32, #tpu.memory_space<hbm>>, %arg7: memref<51200x512xf32, #tpu.memory_space<hbm>>, %arg8: memref<1600xi32, #tpu.memory_space<vmem>>, %arg9: memref<1600xi32, #tpu.memory_space<vmem>>, %arg10: memref<40x40xi32, #tpu.memory_space<vmem>>, %arg11: memref<2x40x512xf32, #tpu.memory_space<vmem>>, %arg12: memref<2x40x512xf32, #tpu.memory_space<vmem>>, %arg13: memref<!tpu.dma_semaphore, #tpu.memory_space<semaphore_mem>>, %arg14: memref<!tpu.dma_semaphore, #tpu.memory_space<semaphore_mem>>, %arg15: memref<!tpu.dma_semaphore, #tpu.memory_space<semaphore_mem>>, %arg16: memref<!tpu.dma_semaphore, #tpu.memory_space<semaphore_mem>>, %arg17: memref<!tpu.dma_semaphore, #tpu.memory_space<semaphore_mem>>, %arg18: memref<!tpu.dma_semaphore, #tpu.memory_space<semaphore_mem>>) attributes {dimension_semantics = [#tpu.dimension_semantics<core_parallel>, #tpu.dimension_semantics<subcore_parallel>], iteration_bounds = array<i64: 2, 16>, scalar_prefetch = 0 : i64, scratch_operands = 11 : i64, tpu.core_type = #tpu.core_type<sc_vector_subcore>, window_params = [{transform_indices = #map}, {transform_indices = #map}, {transform_indices = #map1}, {transform_indices = #map2}, {transform_indices = #map2}, {transform_indices = #map2}]} {
    %mul3A = arith.constant 2 : i32
    %mul3A_0 = arith.muli %arg1, %mul3A : i32
    %add3A = arith.addi %mul3A_0, %arg0 : i32
    %mul3A_1 = arith.constant 1600 : i32
    %mul3A_2 = arith.muli %add3A, %mul3A_1 : i32
    "tpu.region"() ({
      %run_scoped3A = tpu.sem_alloc : memref<!tpu.dma_semaphore, #tpu.memory_space<semaphore_mem>>
      %dma_start3A_51 = tpu.memref_slice %arg2[%mul3A_2] : memref<51200xi32, #tpu.memory_space<hbm>> -> memref<1600xi32, #tpu.memory_space<hbm>>
      %dma_start3A_52 = tpu.memref_slice %arg2[%mul3A_2] : memref<51200xi32, #tpu.memory_space<hbm>> -> memref<1600xi32, #tpu.memory_space<hbm>>
      tpu.enqueue_dma source(%dma_start3A_52 : memref<1600xi32, #tpu.memory_space<hbm>>) target(%arg8 : memref<1600xi32, #tpu.memory_space<vmem>>) target_semaphore(%run_scoped3A : memref<!tpu.dma_semaphore, #tpu.memory_space<semaphore_mem>>)
      %dma_wait3A_53 = tpu.memref_slice %arg2[%mul3A_2] : memref<51200xi32, #tpu.memory_space<hbm>> -> memref<1600xi32, #tpu.memory_space<hbm>>
      %dma_wait3A_54 = tpu.memref_slice %arg2[%mul3A_2] : memref<51200xi32, #tpu.memory_space<hbm>> -> memref<1600xi32, #tpu.memory_space<hbm>>
      tpu.wait_dma2 semaphore(%run_scoped3A : memref<!tpu.dma_semaphore, #tpu.memory_space<semaphore_mem>>) src(%dma_wait3A_54 : memref<1600xi32, #tpu.memory_space<hbm>>) dst(%arg8 : memref<1600xi32, #tpu.memory_space<vmem>>)
      tpu.yield
    }) : () -> ()
    "tpu.region"() ({
      %run_scoped3A = tpu.sem_alloc : memref<!tpu.dma_semaphore, #tpu.memory_space<semaphore_mem>>
      %dma_start3A_51 = tpu.memref_slice %arg3[%mul3A_2] : memref<51200xi32, #tpu.memory_space<hbm>> -> memref<1600xi32, #tpu.memory_space<hbm>>
      %dma_start3A_52 = tpu.memref_slice %arg3[%mul3A_2] : memref<51200xi32, #tpu.memory_space<hbm>> -> memref<1600xi32, #tpu.memory_space<hbm>>
      tpu.enqueue_dma source(%dma_start3A_52 : memref<1600xi32, #tpu.memory_space<hbm>>) target(%arg9 : memref<1600xi32, #tpu.memory_space<vmem>>) target_semaphore(%run_scoped3A : memref<!tpu.dma_semaphore, #tpu.memory_space<semaphore_mem>>)
      %dma_wait3A_53 = tpu.memref_slice %arg3[%mul3A_2] : memref<51200xi32, #tpu.memory_space<hbm>> -> memref<1600xi32, #tpu.memory_space<hbm>>
      %dma_wait3A_54 = tpu.memref_slice %arg3[%mul3A_2] : memref<51200xi32, #tpu.memory_space<hbm>> -> memref<1600xi32, #tpu.memory_space<hbm>>
      tpu.wait_dma2 semaphore(%run_scoped3A : memref<!tpu.dma_semaphore, #tpu.memory_space<semaphore_mem>>) src(%dma_wait3A_54 : memref<1600xi32, #tpu.memory_space<hbm>>) dst(%arg9 : memref<1600xi32, #tpu.memory_space<vmem>>)
      tpu.yield
    }) : () -> ()
    "tpu.region"() ({
      %run_scoped3A = tpu.sem_alloc : memref<!tpu.dma_semaphore, #tpu.memory_space<semaphore_mem>>
      %dma_start3A_51 = arith.constant 0 : i32
      %dma_start3A_52 = arith.constant 0 : i32
      %dma_start3A_53 = tpu.memref_slice %arg4[%add3A, %dma_start3A_51, %dma_start3A_52] : memref<32x40x40xi32, #tpu.memory_space<hbm>> -> memref<1x40x40xi32, #tpu.memory_space<hbm>>
      %dma_start3A_54 = tpu.memref_squeeze %dma_start3A_53 : memref<1x40x40xi32, #tpu.memory_space<hbm>> -> memref<40x40xi32, #tpu.memory_space<hbm>>
      %dma_start3A_55 = arith.constant 0 : i32
      %dma_start3A_56 = arith.constant 0 : i32
      %dma_start3A_57 = tpu.memref_slice %arg4[%add3A, %dma_start3A_55, %dma_start3A_56] : memref<32x40x40xi32, #tpu.memory_space<hbm>> -> memref<1x40x40xi32, #tpu.memory_space<hbm>>
      %dma_start3A_58 = tpu.memref_squeeze %dma_start3A_57 : memref<1x40x40xi32, #tpu.memory_space<hbm>> -> memref<40x40xi32, #tpu.memory_space<hbm>>
      tpu.enqueue_dma source(%dma_start3A_58 : memref<40x40xi32, #tpu.memory_space<hbm>>) target(%arg10 : memref<40x40xi32, #tpu.memory_space<vmem>>) target_semaphore(%run_scoped3A : memref<!tpu.dma_semaphore, #tpu.memory_space<semaphore_mem>>)
      %dma_wait3A_59 = arith.constant 0 : i32
      %dma_wait3A_60 = arith.constant 0 : i32
      %dma_wait3A_61 = tpu.memref_slice %arg4[%add3A, %dma_wait3A_59, %dma_wait3A_60] : memref<32x40x40xi32, #tpu.memory_space<hbm>> -> memref<1x40x40xi32, #tpu.memory_space<hbm>>
      %dma_wait3A_62 = tpu.memref_squeeze %dma_wait3A_61 : memref<1x40x40xi32, #tpu.memory_space<hbm>> -> memref<40x40xi32, #tpu.memory_space<hbm>>
      %dma_wait3A_63 = arith.constant 0 : i32
      %dma_wait3A_64 = arith.constant 0 : i32
      %dma_wait3A_65 = tpu.memref_slice %arg4[%add3A, %dma_wait3A_63, %dma_wait3A_64] : memref<32x40x40xi32, #tpu.memory_space<hbm>> -> memref<1x40x40xi32, #tpu.memory_space<hbm>>
      %dma_wait3A_66 = tpu.memref_squeeze %dma_wait3A_65 : memref<1x40x40xi32, #tpu.memory_space<hbm>> -> memref<40x40xi32, #tpu.memory_space<hbm>>
      tpu.wait_dma2 semaphore(%run_scoped3A : memref<!tpu.dma_semaphore, #tpu.memory_space<semaphore_mem>>) src(%dma_wait3A_66 : memref<40x40xi32, #tpu.memory_space<hbm>>) dst(%arg10 : memref<40x40xi32, #tpu.memory_space<vmem>>)
      tpu.yield
    }) : () -> ()
    %dma_start3A = arith.constant 0 : i32
    %dma_start3A_3 = arith.constant 0 : i32
    %dma_start3A_4 = arith.constant 0 : i32
    %dma_start3A_5 = tpu.memref_slice %arg11[%dma_start3A, %dma_start3A_3, %dma_start3A_4] : memref<2x40x512xf32, #tpu.memory_space<vmem>> -> memref<1x40x512xf32, #tpu.memory_space<vmem>>
    %dma_start3A_6 = tpu.memref_squeeze %dma_start3A_5 : memref<1x40x512xf32, #tpu.memory_space<vmem>> -> memref<40x512xf32, #tpu.memory_space<vmem>>
    %dma_start3A_7 = arith.constant 0 : i32
    %dma_start3A_8 = tpu.memref_slice %arg8[%dma_start3A_7] : memref<1600xi32, #tpu.memory_space<vmem>> -> memref<40xi32, #tpu.memory_space<vmem>>
    %dma_start3A_9 = arith.constant 0 : i32
    %dma_start3A_10 = arith.constant 0 : i32
    %dma_start3A_11 = tpu.memref_slice %arg5[%dma_start3A_9, %dma_start3A_10] : memref<100000x512xf32, #tpu.memory_space<hbm>> -> memref<100000x512xf32, #tpu.memory_space<hbm>>
    tpu.enqueue_indirect_dma source(%dma_start3A_11 : memref<100000x512xf32, #tpu.memory_space<hbm>>) target(%dma_start3A_6 : memref<40x512xf32, #tpu.memory_space<vmem>>) offsets(%dma_start3A_8 : memref<40xi32, #tpu.memory_space<vmem>>) semaphore(%arg13 : memref<!tpu.dma_semaphore, #tpu.memory_space<semaphore_mem>>)
    %dma_start3A_12 = arith.constant 0 : i32
    %dma_start3A_13 = arith.constant 0 : i32
    %dma_start3A_14 = arith.constant 0 : i32
    %dma_start3A_15 = tpu.memref_slice %arg12[%dma_start3A_12, %dma_start3A_13, %dma_start3A_14] : memref<2x40x512xf32, #tpu.memory_space<vmem>> -> memref<1x40x512xf32, #tpu.memory_space<vmem>>
    %dma_start3A_16 = tpu.memref_squeeze %dma_start3A_15 : memref<1x40x512xf32, #tpu.memory_space<vmem>> -> memref<40x512xf32, #tpu.memory_space<vmem>>
    %dma_start3A_17 = arith.constant 0 : i32
    %dma_start3A_18 = tpu.memref_slice %arg9[%dma_start3A_17] : memref<1600xi32, #tpu.memory_space<vmem>> -> memref<40xi32, #tpu.memory_space<vmem>>
    %dma_start3A_19 = arith.constant 0 : i32
    %dma_start3A_20 = arith.constant 0 : i32
    %dma_start3A_21 = tpu.memref_slice %arg6[%dma_start3A_19, %dma_start3A_20] : memref<100x512xf32, #tpu.memory_space<hbm>> -> memref<100x512xf32, #tpu.memory_space<hbm>>
    tpu.enqueue_indirect_dma source(%dma_start3A_21 : memref<100x512xf32, #tpu.memory_space<hbm>>) target(%dma_start3A_16 : memref<40x512xf32, #tpu.memory_space<vmem>>) offsets(%dma_start3A_18 : memref<40xi32, #tpu.memory_space<vmem>>) semaphore(%arg15 : memref<!tpu.dma_semaphore, #tpu.memory_space<semaphore_mem>>)
    %scan3A = arith.constant 0 : i32
    %scan3A_22 = arith.constant 0 : i32
    %scan3A_23 = arith.constant 20 : i32
    %scan3A_24 = arith.addi %scan3A_22, %scan3A_23 : i32
    %scan3A_25 = arith.constant 1 : i32
    %scan3A_26 = scf.for %scan3A_51 = %scan3A_22 to %scan3A_24 step %scan3A_25 iter_args(%scan3A_52 = %scan3A) -> (i32)  : i32 {
      %mul3A_53 = arith.constant 2 : i32
      %mul3A_54 = arith.muli %scan3A_51, %mul3A_53 : i32
      %ge3A = arith.constant 1 : i32
      %ge3A_55 = arith.cmpi sge, %scan3A_51, %ge3A : i32
      %convert_element_type3A = arith.extui %ge3A_55 : i1 to i32
      %cond3A = arith.constant 0 : i32
      %cond3A_56 = arith.cmpi ne, %convert_element_type3A, %cond3A : i32
      scf.if %cond3A_56 {
        %sub3A = arith.constant 1 : i32
        %sub3A_172 = arith.subi %mul3A_54, %sub3A : i32
        %dma_wait3A_173 = arith.constant 1 : i32
        %dma_wait3A_174 = arith.constant 0 : i32
        %dma_wait3A_175 = arith.constant 0 : i32
        %dma_wait3A_176 = tpu.memref_slice %arg11[%dma_wait3A_173, %dma_wait3A_174, %dma_wait3A_175] : memref<2x40x512xf32, #tpu.memory_space<vmem>> -> memref<1x40x512xf32, #tpu.memory_space<vmem>>
        %dma_wait3A_177 = tpu.memref_squeeze %dma_wait3A_176 : memref<1x40x512xf32, #tpu.memory_space<vmem>> -> memref<40x512xf32, #tpu.memory_space<vmem>>
        %dma_wait3A_178 = arith.constant 0 : i32
        %dma_wait3A_179 = tpu.memref_slice %arg10[%sub3A_172, %dma_wait3A_178] : memref<40x40xi32, #tpu.memory_space<vmem>> -> memref<1x40xi32, #tpu.memory_space<vmem>>
        %dma_wait3A_180 = tpu.memref_squeeze %dma_wait3A_179 : memref<1x40xi32, #tpu.memory_space<vmem>> -> memref<40xi32, #tpu.memory_space<vmem>>
        %dma_wait3A_181 = arith.constant 0 : i32
        %dma_wait3A_182 = arith.constant 0 : i32
        %dma_wait3A_183 = tpu.memref_slice %arg7[%dma_wait3A_181, %dma_wait3A_182] : memref<51200x512xf32, #tpu.memory_space<hbm>> -> memref<51200x512xf32, #tpu.memory_space<hbm>>
        tpu.wait_indirect_dma semaphore(%arg18 : memref<!tpu.dma_semaphore, #tpu.memory_space<semaphore_mem>>) src(%dma_wait3A_177 : memref<40x512xf32, #tpu.memory_space<vmem>>) dst(%dma_wait3A_183 : memref<51200x512xf32, #tpu.memory_space<hbm>>)
      } else {
      }
      %add3A_57 = arith.constant 1 : i32
      %add3A_58 = arith.addi %mul3A_54, %add3A_57 : i32
      %mul3A_59 = arith.constant 40 : i32
      %mul3A_60 = arith.muli %add3A_58, %mul3A_59 : i32
      %dma_start3A_61 = arith.constant 1 : i32
      %dma_start3A_62 = arith.constant 0 : i32
      %dma_start3A_63 = arith.constant 0 : i32
      %dma_start3A_64 = tpu.memref_slice %arg11[%dma_start3A_61, %dma_start3A_62, %dma_start3A_63] : memref<2x40x512xf32, #tpu.memory_space<vmem>> -> memref<1x40x512xf32, #tpu.memory_space<vmem>>
      %dma_start3A_65 = tpu.memref_squeeze %dma_start3A_64 : memref<1x40x512xf32, #tpu.memory_space<vmem>> -> memref<40x512xf32, #tpu.memory_space<vmem>>
      %dma_start3A_66 = tpu.memref_slice %arg8[%mul3A_60] : memref<1600xi32, #tpu.memory_space<vmem>> -> memref<40xi32, #tpu.memory_space<vmem>>
      %dma_start3A_67 = arith.constant 0 : i32
      %dma_start3A_68 = arith.constant 0 : i32
      %dma_start3A_69 = tpu.memref_slice %arg5[%dma_start3A_67, %dma_start3A_68] : memref<100000x512xf32, #tpu.memory_space<hbm>> -> memref<100000x512xf32, #tpu.memory_space<hbm>>
      tpu.enqueue_indirect_dma source(%dma_start3A_69 : memref<100000x512xf32, #tpu.memory_space<hbm>>) target(%dma_start3A_65 : memref<40x512xf32, #tpu.memory_space<vmem>>) offsets(%dma_start3A_66 : memref<40xi32, #tpu.memory_space<vmem>>) semaphore(%arg14 : memref<!tpu.dma_semaphore, #tpu.memory_space<semaphore_mem>>)
      %mul3A_70 = arith.constant 40 : i32
      %mul3A_71 = arith.muli %add3A_58, %mul3A_70 : i32
      %dma_start3A_72 = arith.constant 1 : i32
      %dma_start3A_73 = arith.constant 0 : i32
      %dma_start3A_74 = arith.constant 0 : i32
      %dma_start3A_75 = tpu.memref_slice %arg12[%dma_start3A_72, %dma_start3A_73, %dma_start3A_74] : memref<2x40x512xf32, #tpu.memory_space<vmem>> -> memref<1x40x512xf32, #tpu.memory_space<vmem>>
      %dma_start3A_76 = tpu.memref_squeeze %dma_start3A_75 : memref<1x40x512xf32, #tpu.memory_space<vmem>> -> memref<40x512xf32, #tpu.memory_space<vmem>>
      %dma_start3A_77 = tpu.memref_slice %arg9[%mul3A_71] : memref<1600xi32, #tpu.memory_space<vmem>> -> memref<40xi32, #tpu.memory_space<vmem>>
      %dma_start3A_78 = arith.constant 0 : i32
      %dma_start3A_79 = arith.constant 0 : i32
      %dma_start3A_80 = tpu.memref_slice %arg6[%dma_start3A_78, %dma_start3A_79] : memref<100x512xf32, #tpu.memory_space<hbm>> -> memref<100x512xf32, #tpu.memory_space<hbm>>
      tpu.enqueue_indirect_dma source(%dma_start3A_80 : memref<100x512xf32, #tpu.memory_space<hbm>>) target(%dma_start3A_76 : memref<40x512xf32, #tpu.memory_space<vmem>>) offsets(%dma_start3A_77 : memref<40xi32, #tpu.memory_space<vmem>>) semaphore(%arg16 : memref<!tpu.dma_semaphore, #tpu.memory_space<semaphore_mem>>)
      %mul3A_81 = arith.constant 40 : i32
      %mul3A_82 = arith.muli %mul3A_54, %mul3A_81 : i32
      %dma_wait3A_83 = arith.constant 0 : i32
      %dma_wait3A_84 = arith.constant 0 : i32
      %dma_wait3A_85 = arith.constant 0 : i32
      %dma_wait3A_86 = tpu.memref_slice %arg11[%dma_wait3A_83, %dma_wait3A_84, %dma_wait3A_85] : memref<2x40x512xf32, #tpu.memory_space<vmem>> -> memref<1x40x512xf32, #tpu.memory_space<vmem>>
      %dma_wait3A_87 = tpu.memref_squeeze %dma_wait3A_86 : memref<1x40x512xf32, #tpu.memory_space<vmem>> -> memref<40x512xf32, #tpu.memory_space<vmem>>
      %dma_wait3A_88 = tpu.memref_slice %arg8[%mul3A_82] : memref<1600xi32, #tpu.memory_space<vmem>> -> memref<40xi32, #tpu.memory_space<vmem>>
      %dma_wait3A_89 = arith.constant 0 : i32
      %dma_wait3A_90 = arith.constant 0 : i32
      %dma_wait3A_91 = tpu.memref_slice %arg5[%dma_wait3A_89, %dma_wait3A_90] : memref<100000x512xf32, #tpu.memory_space<hbm>> -> memref<100000x512xf32, #tpu.memory_space<hbm>>
      tpu.wait_indirect_dma semaphore(%arg13 : memref<!tpu.dma_semaphore, #tpu.memory_space<semaphore_mem>>) src(%dma_wait3A_91 : memref<100000x512xf32, #tpu.memory_space<hbm>>) dst(%dma_wait3A_87 : memref<40x512xf32, #tpu.memory_space<vmem>>)
      %mul3A_92 = arith.constant 40 : i32
      %mul3A_93 = arith.muli %mul3A_54, %mul3A_92 : i32
      %dma_wait3A_94 = arith.constant 0 : i32
      %dma_wait3A_95 = arith.constant 0 : i32
      %dma_wait3A_96 = arith.constant 0 : i32
      %dma_wait3A_97 = tpu.memref_slice %arg12[%dma_wait3A_94, %dma_wait3A_95, %dma_wait3A_96] : memref<2x40x512xf32, #tpu.memory_space<vmem>> -> memref<1x40x512xf32, #tpu.memory_space<vmem>>
      %dma_wait3A_98 = tpu.memref_squeeze %dma_wait3A_97 : memref<1x40x512xf32, #tpu.memory_space<vmem>> -> memref<40x512xf32, #tpu.memory_space<vmem>>
      %dma_wait3A_99 = tpu.memref_slice %arg9[%mul3A_93] : memref<1600xi32, #tpu.memory_space<vmem>> -> memref<40xi32, #tpu.memory_space<vmem>>
      %dma_wait3A_100 = arith.constant 0 : i32
      %dma_wait3A_101 = arith.constant 0 : i32
      %dma_wait3A_102 = tpu.memref_slice %arg6[%dma_wait3A_100, %dma_wait3A_101] : memref<100x512xf32, #tpu.memory_space<hbm>> -> memref<100x512xf32, #tpu.memory_space<hbm>>
      tpu.wait_indirect_dma semaphore(%arg15 : memref<!tpu.dma_semaphore, #tpu.memory_space<semaphore_mem>>) src(%dma_wait3A_102 : memref<100x512xf32, #tpu.memory_space<hbm>>) dst(%dma_wait3A_98 : memref<40x512xf32, #tpu.memory_space<vmem>>)
      %scan3A_103 = arith.constant 0 : i32
      %scan3A_104 = arith.constant 0 : i32
      %scan3A_105 = arith.constant 40 : i32
      %scan3A_106 = arith.addi %scan3A_104, %scan3A_105 : i32
      %scan3A_107 = arith.constant 1 : i32
      %scan3A_108 = scf.for %scan3A_172 = %scan3A_104 to %scan3A_106 step %scan3A_107 iter_args(%scan3A_173 = %scan3A_103) -> (i32)  : i32 {
        %get3A = arith.constant 0 : i32
        %get3A_174 = arith.index_cast %get3A : i32 to index
        %get3A_175 = arith.index_cast %scan3A_172 : i32 to index
        %get3A_176 = arith.constant 0 : index
        %get3A_177 = tpu.vector_load %arg12[%get3A_174, %get3A_175, %get3A_176] {strides = array<i32>} : memref<2x40x512xf32, #tpu.memory_space<vmem>>, vector<1x1x16xf32>,
        %get3A_178 = vector.shape_cast %get3A_177 : vector<1x1x16xf32> to vector<16xf32>
        %swap3A = arith.constant 0 : i32
        %swap3A_179 = arith.index_cast %swap3A : i32 to index
        %swap3A_180 = arith.index_cast %scan3A_172 : i32 to index
        %swap3A_181 = arith.constant 0 : index
        %swap3A_182 = tpu.vector_load %arg11[%swap3A_179, %swap3A_180, %swap3A_181] {strides = array<i32>} : memref<2x40x512xf32, #tpu.memory_space<vmem>>, vector<1x1x16xf32>,
        %swap3A_183 = vector.shape_cast %swap3A_182 : vector<1x1x16xf32> to vector<16xf32>
        %swap3A_184 = vector.shape_cast %get3A_178 : vector<16xf32> to vector<1x1x16xf32>
        tpu.vector_store %arg11[%swap3A_179, %swap3A_180, %swap3A_181], %swap3A_184 {add = true, strides = array<i32>} : memref<2x40x512xf32, #tpu.memory_space<vmem>>, vector<1x1x16xf32>,
        %get3A_185 = arith.constant 0 : i32
        %get3A_186 = arith.index_cast %get3A_185 : i32 to index
        %get3A_187 = arith.index_cast %scan3A_172 : i32 to index
        %get3A_188 = arith.constant 16 : index
        %get3A_189 = tpu.vector_load %arg12[%get3A_186, %get3A_187, %get3A_188] {strides = array<i32>} : memref<2x40x512xf32, #tpu.memory_space<vmem>>, vector<1x1x16xf32>,
        %get3A_190 = vector.shape_cast %get3A_189 : vector<1x1x16xf32> to vector<16xf32>
        %swap3A_191 = arith.constant 0 : i32
        %swap3A_192 = arith.index_cast %swap3A_191 : i32 to index
        %swap3A_193 = arith.index_cast %scan3A_172 : i32 to index
        %swap3A_194 = arith.constant 16 : index
        %swap3A_195 = tpu.vector_load %arg11[%swap3A_192, %swap3A_193, %swap3A_194] {strides = array<i32>} : memref<2x40x512xf32, #tpu.memory_space<vmem>>, vector<1x1x16xf32>,
        %swap3A_196 = vector.shape_cast %swap3A_195 : vector<1x1x16xf32> to vector<16xf32>
        %swap3A_197 = vector.shape_cast %get3A_190 : vector<16xf32> to vector<1x1x16xf32>
        tpu.vector_store %arg11[%swap3A_192, %swap3A_193, %swap3A_194], %swap3A_197 {add = true, strides = array<i32>} : memref<2x40x512xf32, #tpu.memory_space<vmem>>, vector<1x1x16xf32>,
        %get3A_198 = arith.constant 0 : i32
        %get3A_199 = arith.index_cast %get3A_198 : i32 to index
        %get3A_200 = arith.index_cast %scan3A_172 : i32 to index
        %get3A_201 = arith.constant 32 : index
        %get3A_202 = tpu.vector_load %arg12[%get3A_199, %get3A_200, %get3A_201] {strides = array<i32>} : memref<2x40x512xf32, #tpu.memory_space<vmem>>, vector<1x1x16xf32>,
        %get3A_203 = vector.shape_cast %get3A_202 : vector<1x1x16xf32> to vector<16xf32>
        %swap3A_204 = arith.constant 0 : i32
        %swap3A_205 = arith.index_cast %swap3A_204 : i32 to index
        %swap3A_206 = arith.index_cast %scan3A_172 : i32 to index
        %swap3A_207 = arith.constant 32 : index
        %swap3A_208 = tpu.vector_load %arg11[%swap3A_205, %swap3A_206, %swap3A_207] {strides = array<i32>} : memref<2x40x512xf32, #tpu.memory_space<vmem>>, vector<1x1x16xf32>,
        %swap3A_209 = vector.shape_cast %swap3A_208 : vector<1x1x16xf32> to vector<16xf32>
        %swap3A_210 = vector.shape_cast %get3A_203 : vector<16xf32> to vector<1x1x16xf32>
        tpu.vector_store %arg11[%swap3A_205, %swap3A_206, %swap3A_207], %swap3A_210 {add = true, strides = array<i32>} : memref<2x40x512xf32, #tpu.memory_space<vmem>>, vector<1x1x16xf32>,
        %get3A_211 = arith.constant 0 : i32
        %get3A_212 = arith.index_cast %get3A_211 : i32 to index
        %get3A_213 = arith.index_cast %scan3A_172 : i32 to index
        %get3A_214 = arith.constant 48 : index
        %get3A_215 = tpu.vector_load %arg12[%get3A_212, %get3A_213, %get3A_214] {strides = array<i32>} : memref<2x40x512xf32, #tpu.memory_space<vmem>>, vector<1x1x16xf32>,
        %get3A_216 = vector.shape_cast %get3A_215 : vector<1x1x16xf32> to vector<16xf32>
        %swap3A_217 = arith.constant 0 : i32
        %swap3A_218 = arith.index_cast %swap3A_217 : i32 to index
        %swap3A_219 = arith.index_cast %scan3A_172 : i32 to index
        %swap3A_220 = arith.constant 48 : index
        %swap3A_221 = tpu.vector_load %arg11[%swap3A_218, %swap3A_219, %swap3A_220] {strides = array<i32>} : memref<2x40x512xf32, #tpu.memory_space<vmem>>, vector<1x1x16xf32>,
        %swap3A_222 = vector.shape_cast %swap3A_221 : vector<1x1x16xf32> to vector<16xf32>
        %swap3A_223 = vector.shape_cast %get3A_216 : vector<16xf32> to vector<1x1x16xf32>
        tpu.vector_store %arg11[%swap3A_218, %swap3A_219, %swap3A_220], %swap3A_223 {add = true, strides = array<i32>} : memref<2x40x512xf32, #tpu.memory_space<vmem>>, vector<1x1x16xf32>,
        %get3A_224 = arith.constant 0 : i32
        %get3A_225 = arith.index_cast %get3A_224 : i32 to index
        %get3A_226 = arith.index_cast %scan3A_172 : i32 to index
        %get3A_227 = arith.constant 64 : index
        %get3A_228 = tpu.vector_load %arg12[%get3A_225, %get3A_226, %get3A_227] {strides = array<i32>} : memref<2x40x512xf32, #tpu.memory_space<vmem>>, vector<1x1x16xf32>,
        %get3A_229 = vector.shape_cast %get3A_228 : vector<1x1x16xf32> to vector<16xf32>
        %swap3A_230 = arith.constant 0 : i32
        %swap3A_231 = arith.index_cast %swap3A_230 : i32 to index
        %swap3A_232 = arith.index_cast %scan3A_172 : i32 to index
        %swap3A_233 = arith.constant 64 : index
        %swap3A_234 = tpu.vector_load %arg11[%swap3A_231, %swap3A_232, %swap3A_233] {strides = array<i32>} : memref<2x40x512xf32, #tpu.memory_space<vmem>>, vector<1x1x16xf32>,
        %swap3A_235 = vector.shape_cast %swap3A_234 : vector<1x1x16xf32> to vector<16xf32>
        %swap3A_236 = vector.shape_cast %get3A_229 : vector<16xf32> to vector<1x1x16xf32>
        tpu.vector_store %arg11[%swap3A_231, %swap3A_232, %swap3A_233], %swap3A_236 {add = true, strides = array<i32>} : memref<2x40x512xf32, #tpu.memory_space<vmem>>, vector<1x1x16xf32>,
        %get3A_237 = arith.constant 0 : i32
        %get3A_238 = arith.index_cast %get3A_237 : i32 to index
        %get3A_239 = arith.index_cast %scan3A_172 : i32 to index
        %get3A_240 = arith.constant 80 : index
        %get3A_241 = tpu.vector_load %arg12[%get3A_238, %get3A_239, %get3A_240] {strides = array<i32>} : memref<2x40x512xf32, #tpu.memory_space<vmem>>, vector<1x1x16xf32>,
        %get3A_242 = vector.shape_cast %get3A_241 : vector<1x1x16xf32> to vector<16xf32>
        %swap3A_243 = arith.constant 0 : i32
        %swap3A_244 = arith.index_cast %swap3A_243 : i32 to index
        %swap3A_245 = arith.index_cast %scan3A_172 : i32 to index
        %swap3A_246 = arith.constant 80 : index
        %swap3A_247 = tpu.vector_load %arg11[%swap3A_244, %swap3A_245, %swap3A_246] {strides = array<i32>} : memref<2x40x512xf32, #tpu.memory_space<vmem>>, vector<1x1x16xf32>,
        %swap3A_248 = vector.shape_cast %swap3A_247 : vector<1x1x16xf32> to vector<16xf32>
        %swap3A_249 = vector.shape_cast %get3A_242 : vector<16xf32> to vector<1x1x16xf32>
        tpu.vector_store %arg11[%swap3A_244, %swap3A_245, %swap3A_246], %swap3A_249 {add = true, strides = array<i32>} : memref<2x40x512xf32, #tpu.memory_space<vmem>>, vector<1x1x16xf32>,
        %get3A_250 = arith.constant 0 : i32
        %get3A_251 = arith.index_cast %get3A_250 : i32 to index
        %get3A_252 = arith.index_cast %scan3A_172 : i32 to index
        %get3A_253 = arith.constant 96 : index
        %get3A_254 = tpu.vector_load %arg12[%get3A_251, %get3A_252, %get3A_253] {strides = array<i32>} : memref<2x40x512xf32, #tpu.memory_space<vmem>>, vector<1x1x16xf32>,
        %get3A_255 = vector.shape_cast %get3A_254 : vector<1x1x16xf32> to vector<16xf32>
        %swap3A_256 = arith.constant 0 : i32
        %swap3A_257 = arith.index_cast %swap3A_256 : i32 to index
        %swap3A_258 = arith.index_cast %scan3A_172 : i32 to index
        %swap3A_259 = arith.constant 96 : index
        %swap3A_260 = tpu.vector_load %arg11[%swap3A_257, %swap3A_258, %swap3A_259] {strides = array<i32>} : memref<2x40x512xf32, #tpu.memory_space<vmem>>, vector<1x1x16xf32>,
        %swap3A_261 = vector.shape_cast %swap3A_260 : vector<1x1x16xf32> to vector<16xf32>
        %swap3A_262 = vector.shape_cast %get3A_255 : vector<16xf32> to vector<1x1x16xf32>
        tpu.vector_store %arg11[%swap3A_257, %swap3A_258, %swap3A_259], %swap3A_262 {add = true, strides = array<i32>} : memref<2x40x512xf32, #tpu.memory_space<vmem>>, vector<1x1x16xf32>,
        %get3A_263 = arith.constant 0 : i32
        %get3A_264 = arith.index_cast %get3A_263 : i32 to index
        %get3A_265 = arith.index_cast %scan3A_172 : i32 to index
        %get3A_266 = arith.constant 112 : index
        %get3A_267 = tpu.vector_load %arg12[%get3A_264, %get3A_265, %get3A_266] {strides = array<i32>} : memref<2x40x512xf32, #tpu.memory_space<vmem>>, vector<1x1x16xf32>,
        %get3A_268 = vector.shape_cast %get3A_267 : vector<1x1x16xf32> to vector<16xf32>
        %swap3A_269 = arith.constant 0 : i32
        %swap3A_270 = arith.index_cast %swap3A_269 : i32 to index
        %swap3A_271 = arith.index_cast %scan3A_172 : i32 to index
        %swap3A_272 = arith.constant 112 : index
        %swap3A_273 = tpu.vector_load %arg11[%swap3A_270, %swap3A_271, %swap3A_272] {strides = array<i32>} : memref<2x40x512xf32, #tpu.memory_space<vmem>>, vector<1x1x16xf32>,
        %swap3A_274 = vector.shape_cast %swap3A_273 : vector<1x1x16xf32> to vector<16xf32>
        %swap3A_275 = vector.shape_cast %get3A_268 : vector<16xf32> to vector<1x1x16xf32>
        tpu.vector_store %arg11[%swap3A_270, %swap3A_271, %swap3A_272], %swap3A_275 {add = true, strides = array<i32>} : memref<2x40x512xf32, #tpu.memory_space<vmem>>, vector<1x1x16xf32>,
        %get3A_276 = arith.constant 0 : i32
        %get3A_277 = arith.index_cast %get3A_276 : i32 to index
        %get3A_278 = arith.index_cast %scan3A_172 : i32 to index
        %get3A_279 = arith.constant 128 : index
        %get3A_280 = tpu.vector_load %arg12[%get3A_277, %get3A_278, %get3A_279] {strides = array<i32>} : memref<2x40x512xf32, #tpu.memory_space<vmem>>, vector<1x1x16xf32>,
        %get3A_281 = vector.shape_cast %get3A_280 : vector<1x1x16xf32> to vector<16xf32>
        %swap3A_282 = arith.constant 0 : i32
        %swap3A_283 = arith.index_cast %swap3A_282 : i32 to index
        %swap3A_284 = arith.index_cast %scan3A_172 : i32 to index
        %swap3A_285 = arith.constant 128 : index
        %swap3A_286 = tpu.vector_load %arg11[%swap3A_283, %swap3A_284, %swap3A_285] {strides = array<i32>} : memref<2x40x512xf32, #tpu.memory_space<vmem>>, vector<1x1x16xf32>,
        %swap3A_287 = vector.shape_cast %swap3A_286 : vector<1x1x16xf32> to vector<16xf32>
        %swap3A_288 = vector.shape_cast %get3A_281 : vector<16xf32> to vector<1x1x16xf32>
        tpu.vector_store %arg11[%swap3A_283, %swap3A_284, %swap3A_285], %swap3A_288 {add = true, strides = array<i32>} : memref<2x40x512xf32, #tpu.memory_space<vmem>>, vector<1x1x16xf32>,
        %get3A_289 = arith.constant 0 : i32
        %get3A_290 = arith.index_cast %get3A_289 : i32 to index
        %get3A_291 = arith.index_cast %scan3A_172 : i32 to index
        %get3A_292 = arith.constant 144 : index
        %get3A_293 = tpu.vector_load %arg12[%get3A_290, %get3A_291, %get3A_292] {strides = array<i32>} : memref<2x40x512xf32, #tpu.memory_space<vmem>>, vector<1x1x16xf32>,
        %get3A_294 = vector.shape_cast %get3A_293 : vector<1x1x16xf32> to vector<16xf32>
        %swap3A_295 = arith.constant 0 : i32
        %swap3A_296 = arith.index_cast %swap3A_295 : i32 to index
        %swap3A_297 = arith.index_cast %scan3A_172 : i32 to index
        %swap3A_298 = arith.constant 144 : index
        %swap3A_299 = tpu.vector_load %arg11[%swap3A_296, %swap3A_297, %swap3A_298] {strides = array<i32>} : memref<2x40x512xf32, #tpu.memory_space<vmem>>, vector<1x1x16xf32>,
        %swap3A_300 = vector.shape_cast %swap3A_299 : vector<1x1x16xf32> to vector<16xf32>
        %swap3A_301 = vector.shape_cast %get3A_294 : vector<16xf32> to vector<1x1x16xf32>
        tpu.vector_store %arg11[%swap3A_296, %swap3A_297, %swap3A_298], %swap3A_301 {add = true, strides = array<i32>} : memref<2x40x512xf32, #tpu.memory_space<vmem>>, vector<1x1x16xf32>,
        %get3A_302 = arith.constant 0 : i32
        %get3A_303 = arith.index_cast %get3A_302 : i32 to index
        %get3A_304 = arith.index_cast %scan3A_172 : i32 to index
        %get3A_305 = arith.constant 160 : index
        %get3A_306 = tpu.vector_load %arg12[%get3A_303, %get3A_304, %get3A_305] {strides = array<i32>} : memref<2x40x512xf32, #tpu.memory_space<vmem>>, vector<1x1x16xf32>,
        %get3A_307 = vector.shape_cast %get3A_306 : vector<1x1x16xf32> to vector<16xf32>
        %swap3A_308 = arith.constant 0 : i32
        %swap3A_309 = arith.index_cast %swap3A_308 : i32 to index
        %swap3A_310 = arith.index_cast %scan3A_172 : i32 to index
        %swap3A_311 = arith.constant 160 : index
        %swap3A_312 = tpu.vector_load %arg11[%swap3A_309, %swap3A_310, %swap3A_311] {strides = array<i32>} : memref<2x40x512xf32, #tpu.memory_space<vmem>>, vector<1x1x16xf32>,
        %swap3A_313 = vector.shape_cast %swap3A_312 : vector<1x1x16xf32> to vector<16xf32>
        %swap3A_314 = vector.shape_cast %get3A_307 : vector<16xf32> to vector<1x1x16xf32>
        tpu.vector_store %arg11[%swap3A_309, %swap3A_310, %swap3A_311], %swap3A_314 {add = true, strides = array<i32>} : memref<2x40x512xf32, #tpu.memory_space<vmem>>, vector<1x1x16xf32>,
        %get3A_315 = arith.constant 0 : i32
        %get3A_316 = arith.index_cast %get3A_315 : i32 to index
        %get3A_317 = arith.index_cast %scan3A_172 : i32 to index
        %get3A_318 = arith.constant 176 : index
        %get3A_319 = tpu.vector_load %arg12[%get3A_316, %get3A_317, %get3A_318] {strides = array<i32>} : memref<2x40x512xf32, #tpu.memory_space<vmem>>, vector<1x1x16xf32>,
        %get3A_320 = vector.shape_cast %get3A_319 : vector<1x1x16xf32> to vector<16xf32>
        %swap3A_321 = arith.constant 0 : i32
        %swap3A_322 = arith.index_cast %swap3A_321 : i32 to index
        %swap3A_323 = arith.index_cast %scan3A_172 : i32 to index
        %swap3A_324 = arith.constant 176 : index
        %swap3A_325 = tpu.vector_load %arg11[%swap3A_322, %swap3A_323, %swap3A_324] {strides = array<i32>} : memref<2x40x512xf32, #tpu.memory_space<vmem>>, vector<1x1x16xf32>,
        %swap3A_326 = vector.shape_cast %swap3A_325 : vector<1x1x16xf32> to vector<16xf32>
        %swap3A_327 = vector.shape_cast %get3A_320 : vector<16xf32> to vector<1x1x16xf32>
        tpu.vector_store %arg11[%swap3A_322, %swap3A_323, %swap3A_324], %swap3A_327 {add = true, strides = array<i32>} : memref<2x40x512xf32, #tpu.memory_space<vmem>>, vector<1x1x16xf32>,
        %get3A_328 = arith.constant 0 : i32
        %get3A_329 = arith.index_cast %get3A_328 : i32 to index
        %get3A_330 = arith.index_cast %scan3A_172 : i32 to index
        %get3A_331 = arith.constant 192 : index
        %get3A_332 = tpu.vector_load %arg12[%get3A_329, %get3A_330, %get3A_331] {strides = array<i32>} : memref<2x40x512xf32, #tpu.memory_space<vmem>>, vector<1x1x16xf32>,
        %get3A_333 = vector.shape_cast %get3A_332 : vector<1x1x16xf32> to vector<16xf32>
        %swap3A_334 = arith.constant 0 : i32
        %swap3A_335 = arith.index_cast %swap3A_334 : i32 to index
        %swap3A_336 = arith.index_cast %scan3A_172 : i32 to index
        %swap3A_337 = arith.constant 192 : index
        %swap3A_338 = tpu.vector_load %arg11[%swap3A_335, %swap3A_336, %swap3A_337] {strides = array<i32>} : memref<2x40x512xf32, #tpu.memory_space<vmem>>, vector<1x1x16xf32>,
        %swap3A_339 = vector.shape_cast %swap3A_338 : vector<1x1x16xf32> to vector<16xf32>
        %swap3A_340 = vector.shape_cast %get3A_333 : vector<16xf32> to vector<1x1x16xf32>
        tpu.vector_store %arg11[%swap3A_335, %swap3A_336, %swap3A_337], %swap3A_340 {add = true, strides = array<i32>} : memref<2x40x512xf32, #tpu.memory_space<vmem>>, vector<1x1x16xf32>,
        %get3A_341 = arith.constant 0 : i32
        %get3A_342 = arith.index_cast %get3A_341 : i32 to index
        %get3A_343 = arith.index_cast %scan3A_172 : i32 to index
        %get3A_344 = arith.constant 208 : index
        %get3A_345 = tpu.vector_load %arg12[%get3A_342, %get3A_343, %get3A_344] {strides = array<i32>} : memref<2x40x512xf32, #tpu.memory_space<vmem>>, vector<1x1x16xf32>,
        %get3A_346 = vector.shape_cast %get3A_345 : vector<1x1x16xf32> to vector<16xf32>
        %swap3A_347 = arith.constant 0 : i32
        %swap3A_348 = arith.index_cast %swap3A_347 : i32 to index
        %swap3A_349 = arith.index_cast %scan3A_172 : i32 to index
        %swap3A_350 = arith.constant 208 : index
        %swap3A_351 = tpu.vector_load %arg11[%swap3A_348, %swap3A_349, %swap3A_350] {strides = array<i32>} : memref<2x40x512xf32, #tpu.memory_space<vmem>>, vector<1x1x16xf32>,
        %swap3A_352 = vector.shape_cast %swap3A_351 : vector<1x1x16xf32> to vector<16xf32>
        %swap3A_353 = vector.shape_cast %get3A_346 : vector<16xf32> to vector<1x1x16xf32>
        tpu.vector_store %arg11[%swap3A_348, %swap3A_349, %swap3A_350], %swap3A_353 {add = true, strides = array<i32>} : memref<2x40x512xf32, #tpu.memory_space<vmem>>, vector<1x1x16xf32>,
        %get3A_354 = arith.constant 0 : i32
        %get3A_355 = arith.index_cast %get3A_354 : i32 to index
        %get3A_356 = arith.index_cast %scan3A_172 : i32 to index
        %get3A_357 = arith.constant 224 : index
        %get3A_358 = tpu.vector_load %arg12[%get3A_355, %get3A_356, %get3A_357] {strides = array<i32>} : memref<2x40x512xf32, #tpu.memory_space<vmem>>, vector<1x1x16xf32>,
        %get3A_359 = vector.shape_cast %get3A_358 : vector<1x1x16xf32> to vector<16xf32>
        %swap3A_360 = arith.constant 0 : i32
        %swap3A_361 = arith.index_cast %swap3A_360 : i32 to index
        %swap3A_362 = arith.index_cast %scan3A_172 : i32 to index
        %swap3A_363 = arith.constant 224 : index
        %swap3A_364 = tpu.vector_load %arg11[%swap3A_361, %swap3A_362, %swap3A_363] {strides = array<i32>} : memref<2x40x512xf32, #tpu.memory_space<vmem>>, vector<1x1x16xf32>,
        %swap3A_365 = vector.shape_cast %swap3A_364 : vector<1x1x16xf32> to vector<16xf32>
        %swap3A_366 = vector.shape_cast %get3A_359 : vector<16xf32> to vector<1x1x16xf32>
        tpu.vector_store %arg11[%swap3A_361, %swap3A_362, %swap3A_363], %swap3A_366 {add = true, strides = array<i32>} : memref<2x40x512xf32, #tpu.memory_space<vmem>>, vector<1x1x16xf32>,
        %get3A_367 = arith.constant 0 : i32
        %get3A_368 = arith.index_cast %get3A_367 : i32 to index
        %get3A_369 = arith.index_cast %scan3A_172 : i32 to index
        %get3A_370 = arith.constant 240 : index
        %get3A_371 = tpu.vector_load %arg12[%get3A_368, %get3A_369, %get3A_370] {strides = array<i32>} : memref<2x40x512xf32, #tpu.memory_space<vmem>>, vector<1x1x16xf32>,
        %get3A_372 = vector.shape_cast %get3A_371 : vector<1x1x16xf32> to vector<16xf32>
        %swap3A_373 = arith.constant 0 : i32
        %swap3A_374 = arith.index_cast %swap3A_373 : i32 to index
        %swap3A_375 = arith.index_cast %scan3A_172 : i32 to index
        %swap3A_376 = arith.constant 240 : index
        %swap3A_377 = tpu.vector_load %arg11[%swap3A_374, %swap3A_375, %swap3A_376] {strides = array<i32>} : memref<2x40x512xf32, #tpu.memory_space<vmem>>, vector<1x1x16xf32>,
        %swap3A_378 = vector.shape_cast %swap3A_377 : vector<1x1x16xf32> to vector<16xf32>
        %swap3A_379 = vector.shape_cast %get3A_372 : vector<16xf32> to vector<1x1x16xf32>
        tpu.vector_store %arg11[%swap3A_374, %swap3A_375, %swap3A_376], %swap3A_379 {add = true, strides = array<i32>} : memref<2x40x512xf32, #tpu.memory_space<vmem>>, vector<1x1x16xf32>,
        %get3A_380 = arith.constant 0 : i32
        %get3A_381 = arith.index_cast %get3A_380 : i32 to index
        %get3A_382 = arith.index_cast %scan3A_172 : i32 to index
        %get3A_383 = arith.constant 256 : index
        %get3A_384 = tpu.vector_load %arg12[%get3A_381, %get3A_382, %get3A_383] {strides = array<i32>} : memref<2x40x512xf32, #tpu.memory_space<vmem>>, vector<1x1x16xf32>,
        %get3A_385 = vector.shape_cast %get3A_384 : vector<1x1x16xf32> to vector<16xf32>
        %swap3A_386 = arith.constant 0 : i32
        %swap3A_387 = arith.index_cast %swap3A_386 : i32 to index
        %swap3A_388 = arith.index_cast %scan3A_172 : i32 to index
        %swap3A_389 = arith.constant 256 : index
        %swap3A_390 = tpu.vector_load %arg11[%swap3A_387, %swap3A_388, %swap3A_389] {strides = array<i32>} : memref<2x40x512xf32, #tpu.memory_space<vmem>>, vector<1x1x16xf32>,
        %swap3A_391 = vector.shape_cast %swap3A_390 : vector<1x1x16xf32> to vector<16xf32>
        %swap3A_392 = vector.shape_cast %get3A_385 : vector<16xf32> to vector<1x1x16xf32>
        tpu.vector_store %arg11[%swap3A_387, %swap3A_388, %swap3A_389], %swap3A_392 {add = true, strides = array<i32>} : memref<2x40x512xf32, #tpu.memory_space<vmem>>, vector<1x1x16xf32>,
        %get3A_393 = arith.constant 0 : i32
        %get3A_394 = arith.index_cast %get3A_393 : i32 to index
        %get3A_395 = arith.index_cast %scan3A_172 : i32 to index
        %get3A_396 = arith.constant 272 : index
        %get3A_397 = tpu.vector_load %arg12[%get3A_394, %get3A_395, %get3A_396] {strides = array<i32>} : memref<2x40x512xf32, #tpu.memory_space<vmem>>, vector<1x1x16xf32>,
        %get3A_398 = vector.shape_cast %get3A_397 : vector<1x1x16xf32> to vector<16xf32>
        %swap3A_399 = arith.constant 0 : i32
        %swap3A_400 = arith.index_cast %swap3A_399 : i32 to index
        %swap3A_401 = arith.index_cast %scan3A_172 : i32 to index
        %swap3A_402 = arith.constant 272 : index
        %swap3A_403 = tpu.vector_load %arg11[%swap3A_400, %swap3A_401, %swap3A_402] {strides = array<i32>} : memref<2x40x512xf32, #tpu.memory_space<vmem>>, vector<1x1x16xf32>,
        %swap3A_404 = vector.shape_cast %swap3A_403 : vector<1x1x16xf32> to vector<16xf32>
        %swap3A_405 = vector.shape_cast %get3A_398 : vector<16xf32> to vector<1x1x16xf32>
        tpu.vector_store %arg11[%swap3A_400, %swap3A_401, %swap3A_402], %swap3A_405 {add = true, strides = array<i32>} : memref<2x40x512xf32, #tpu.memory_space<vmem>>, vector<1x1x16xf32>,
        %get3A_406 = arith.constant 0 : i32
        %get3A_407 = arith.index_cast %get3A_406 : i32 to index
        %get3A_408 = arith.index_cast %scan3A_172 : i32 to index
        %get3A_409 = arith.constant 288 : index
        %get3A_410 = tpu.vector_load %arg12[%get3A_407, %get3A_408, %get3A_409] {strides = array<i32>} : memref<2x40x512xf32, #tpu.memory_space<vmem>>, vector<1x1x16xf32>,
        %get3A_411 = vector.shape_cast %get3A_410 : vector<1x1x16xf32> to vector<16xf32>
        %swap3A_412 = arith.constant 0 : i32
        %swap3A_413 = arith.index_cast %swap3A_412 : i32 to index
        %swap3A_414 = arith.index_cast %scan3A_172 : i32 to index
        %swap3A_415 = arith.constant 288 : index
        %swap3A_416 = tpu.vector_load %arg11[%swap3A_413, %swap3A_414, %swap3A_415] {strides = array<i32>} : memref<2x40x512xf32, #tpu.memory_space<vmem>>, vector<1x1x16xf32>,
        %swap3A_417 = vector.shape_cast %swap3A_416 : vector<1x1x16xf32> to vector<16xf32>
        %swap3A_418 = vector.shape_cast %get3A_411 : vector<16xf32> to vector<1x1x16xf32>
        tpu.vector_store %arg11[%swap3A_413, %swap3A_414, %swap3A_415], %swap3A_418 {add = true, strides = array<i32>} : memref<2x40x512xf32, #tpu.memory_space<vmem>>, vector<1x1x16xf32>,
        %get3A_419 = arith.constant 0 : i32
        %get3A_420 = arith.index_cast %get3A_419 : i32 to index
        %get3A_421 = arith.index_cast %scan3A_172 : i32 to index
        %get3A_422 = arith.constant 304 : index
        %get3A_423 = tpu.vector_load %arg12[%get3A_420, %get3A_421, %get3A_422] {strides = array<i32>} : memref<2x40x512xf32, #tpu.memory_space<vmem>>, vector<1x1x16xf32>,
        %get3A_424 = vector.shape_cast %get3A_423 : vector<1x1x16xf32> to vector<16xf32>
        %swap3A_425 = arith.constant 0 : i32
        %swap3A_426 = arith.index_cast %swap3A_425 : i32 to index
        %swap3A_427 = arith.index_cast %scan3A_172 : i32 to index
        %swap3A_428 = arith.constant 304 : index
        %swap3A_429 = tpu.vector_load %arg11[%swap3A_426, %swap3A_427, %swap3A_428] {strides = array<i32>} : memref<2x40x512xf32, #tpu.memory_space<vmem>>, vector<1x1x16xf32>,
        %swap3A_430 = vector.shape_cast %swap3A_429 : vector<1x1x16xf32> to vector<16xf32>
        %swap3A_431 = vector.shape_cast %get3A_424 : vector<16xf32> to vector<1x1x16xf32>
        tpu.vector_store %arg11[%swap3A_426, %swap3A_427, %swap3A_428], %swap3A_431 {add = true, strides = array<i32>} : memref<2x40x512xf32, #tpu.memory_space<vmem>>, vector<1x1x16xf32>,
        %get3A_432 = arith.constant 0 : i32
        %get3A_433 = arith.index_cast %get3A_432 : i32 to index
        %get3A_434 = arith.index_cast %scan3A_172 : i32 to index
        %get3A_435 = arith.constant 320 : index
        %get3A_436 = tpu.vector_load %arg12[%get3A_433, %get3A_434, %get3A_435] {strides = array<i32>} : memref<2x40x512xf32, #tpu.memory_space<vmem>>, vector<1x1x16xf32>,
        %get3A_437 = vector.shape_cast %get3A_436 : vector<1x1x16xf32> to vector<16xf32>
        %swap3A_438 = arith.constant 0 : i32
        %swap3A_439 = arith.index_cast %swap3A_438 : i32 to index
        %swap3A_440 = arith.index_cast %scan3A_172 : i32 to index
        %swap3A_441 = arith.constant 320 : index
        %swap3A_442 = tpu.vector_load %arg11[%swap3A_439, %swap3A_440, %swap3A_441] {strides = array<i32>} : memref<2x40x512xf32, #tpu.memory_space<vmem>>, vector<1x1x16xf32>,
        %swap3A_443 = vector.shape_cast %swap3A_442 : vector<1x1x16xf32> to vector<16xf32>
        %swap3A_444 = vector.shape_cast %get3A_437 : vector<16xf32> to vector<1x1x16xf32>
        tpu.vector_store %arg11[%swap3A_439, %swap3A_440, %swap3A_441], %swap3A_444 {add = true, strides = array<i32>} : memref<2x40x512xf32, #tpu.memory_space<vmem>>, vector<1x1x16xf32>,
        %get3A_445 = arith.constant 0 : i32
        %get3A_446 = arith.index_cast %get3A_445 : i32 to index
        %get3A_447 = arith.index_cast %scan3A_172 : i32 to index
        %get3A_448 = arith.constant 336 : index
        %get3A_449 = tpu.vector_load %arg12[%get3A_446, %get3A_447, %get3A_448] {strides = array<i32>} : memref<2x40x512xf32, #tpu.memory_space<vmem>>, vector<1x1x16xf32>,
        %get3A_450 = vector.shape_cast %get3A_449 : vector<1x1x16xf32> to vector<16xf32>
        %swap3A_451 = arith.constant 0 : i32
        %swap3A_452 = arith.index_cast %swap3A_451 : i32 to index
        %swap3A_453 = arith.index_cast %scan3A_172 : i32 to index
        %swap3A_454 = arith.constant 336 : index
        %swap3A_455 = tpu.vector_load %arg11[%swap3A_452, %swap3A_453, %swap3A_454] {strides = array<i32>} : memref<2x40x512xf32, #tpu.memory_space<vmem>>, vector<1x1x16xf32>,
        %swap3A_456 = vector.shape_cast %swap3A_455 : vector<1x1x16xf32> to vector<16xf32>
        %swap3A_457 = vector.shape_cast %get3A_450 : vector<16xf32> to vector<1x1x16xf32>
        tpu.vector_store %arg11[%swap3A_452, %swap3A_453, %swap3A_454], %swap3A_457 {add = true, strides = array<i32>} : memref<2x40x512xf32, #tpu.memory_space<vmem>>, vector<1x1x16xf32>,
        %get3A_458 = arith.constant 0 : i32
        %get3A_459 = arith.index_cast %get3A_458 : i32 to index
        %get3A_460 = arith.index_cast %scan3A_172 : i32 to index
        %get3A_461 = arith.constant 352 : index
        %get3A_462 = tpu.vector_load %arg12[%get3A_459, %get3A_460, %get3A_461] {strides = array<i32>} : memref<2x40x512xf32, #tpu.memory_space<vmem>>, vector<1x1x16xf32>,
        %get3A_463 = vector.shape_cast %get3A_462 : vector<1x1x16xf32> to vector<16xf32>
        %swap3A_464 = arith.constant 0 : i32
        %swap3A_465 = arith.index_cast %swap3A_464 : i32 to index
        %swap3A_466 = arith.index_cast %scan3A_172 : i32 to index
        %swap3A_467 = arith.constant 352 : index
        %swap3A_468 = tpu.vector_load %arg11[%swap3A_465, %swap3A_466, %swap3A_467] {strides = array<i32>} : memref<2x40x512xf32, #tpu.memory_space<vmem>>, vector<1x1x16xf32>,
        %swap3A_469 = vector.shape_cast %swap3A_468 : vector<1x1x16xf32> to vector<16xf32>
        %swap3A_470 = vector.shape_cast %get3A_463 : vector<16xf32> to vector<1x1x16xf32>
        tpu.vector_store %arg11[%swap3A_465, %swap3A_466, %swap3A_467], %swap3A_470 {add = true, strides = array<i32>} : memref<2x40x512xf32, #tpu.memory_space<vmem>>, vector<1x1x16xf32>,
        %get3A_471 = arith.constant 0 : i32
        %get3A_472 = arith.index_cast %get3A_471 : i32 to index
        %get3A_473 = arith.index_cast %scan3A_172 : i32 to index
        %get3A_474 = arith.constant 368 : index
        %get3A_475 = tpu.vector_load %arg12[%get3A_472, %get3A_473, %get3A_474] {strides = array<i32>} : memref<2x40x512xf32, #tpu.memory_space<vmem>>, vector<1x1x16xf32>,
        %get3A_476 = vector.shape_cast %get3A_475 : vector<1x1x16xf32> to vector<16xf32>
        %swap3A_477 = arith.constant 0 : i32
        %swap3A_478 = arith.index_cast %swap3A_477 : i32 to index
        %swap3A_479 = arith.index_cast %scan3A_172 : i32 to index
        %swap3A_480 = arith.constant 368 : index
        %swap3A_481 = tpu.vector_load %arg11[%swap3A_478, %swap3A_479, %swap3A_480] {strides = array<i32>} : memref<2x40x512xf32, #tpu.memory_space<vmem>>, vector<1x1x16xf32>,
        %swap3A_482 = vector.shape_cast %swap3A_481 : vector<1x1x16xf32> to vector<16xf32>
        %swap3A_483 = vector.shape_cast %get3A_476 : vector<16xf32> to vector<1x1x16xf32>
        tpu.vector_store %arg11[%swap3A_478, %swap3A_479, %swap3A_480], %swap3A_483 {add = true, strides = array<i32>} : memref<2x40x512xf32, #tpu.memory_space<vmem>>, vector<1x1x16xf32>,
        %get3A_484 = arith.constant 0 : i32
        %get3A_485 = arith.index_cast %get3A_484 : i32 to index
        %get3A_486 = arith.index_cast %scan3A_172 : i32 to index
        %get3A_487 = arith.constant 384 : index
        %get3A_488 = tpu.vector_load %arg12[%get3A_485, %get3A_486, %get3A_487] {strides = array<i32>} : memref<2x40x512xf32, #tpu.memory_space<vmem>>, vector<1x1x16xf32>,
        %get3A_489 = vector.shape_cast %get3A_488 : vector<1x1x16xf32> to vector<16xf32>
        %swap3A_490 = arith.constant 0 : i32
        %swap3A_491 = arith.index_cast %swap3A_490 : i32 to index
        %swap3A_492 = arith.index_cast %scan3A_172 : i32 to index
        %swap3A_493 = arith.constant 384 : index
        %swap3A_494 = tpu.vector_load %arg11[%swap3A_491, %swap3A_492, %swap3A_493] {strides = array<i32>} : memref<2x40x512xf32, #tpu.memory_space<vmem>>, vector<1x1x16xf32>,
        %swap3A_495 = vector.shape_cast %swap3A_494 : vector<1x1x16xf32> to vector<16xf32>
        %swap3A_496 = vector.shape_cast %get3A_489 : vector<16xf32> to vector<1x1x16xf32>
        tpu.vector_store %arg11[%swap3A_491, %swap3A_492, %swap3A_493], %swap3A_496 {add = true, strides = array<i32>} : memref<2x40x512xf32, #tpu.memory_space<vmem>>, vector<1x1x16xf32>,
        %get3A_497 = arith.constant 0 : i32
        %get3A_498 = arith.index_cast %get3A_497 : i32 to index
        %get3A_499 = arith.index_cast %scan3A_172 : i32 to index
        %get3A_500 = arith.constant 400 : index
        %get3A_501 = tpu.vector_load %arg12[%get3A_498, %get3A_499, %get3A_500] {strides = array<i32>} : memref<2x40x512xf32, #tpu.memory_space<vmem>>, vector<1x1x16xf32>,
        %get3A_502 = vector.shape_cast %get3A_501 : vector<1x1x16xf32> to vector<16xf32>
        %swap3A_503 = arith.constant 0 : i32
        %swap3A_504 = arith.index_cast %swap3A_503 : i32 to index
        %swap3A_505 = arith.index_cast %scan3A_172 : i32 to index
        %swap3A_506 = arith.constant 400 : index
        %swap3A_507 = tpu.vector_load %arg11[%swap3A_504, %swap3A_505, %swap3A_506] {strides = array<i32>} : memref<2x40x512xf32, #tpu.memory_space<vmem>>, vector<1x1x16xf32>,
        %swap3A_508 = vector.shape_cast %swap3A_507 : vector<1x1x16xf32> to vector<16xf32>
        %swap3A_509 = vector.shape_cast %get3A_502 : vector<16xf32> to vector<1x1x16xf32>
        tpu.vector_store %arg11[%swap3A_504, %swap3A_505, %swap3A_506], %swap3A_509 {add = true, strides = array<i32>} : memref<2x40x512xf32, #tpu.memory_space<vmem>>, vector<1x1x16xf32>,
        %get3A_510 = arith.constant 0 : i32
        %get3A_511 = arith.index_cast %get3A_510 : i32 to index
        %get3A_512 = arith.index_cast %scan3A_172 : i32 to index
        %get3A_513 = arith.constant 416 : index
        %get3A_514 = tpu.vector_load %arg12[%get3A_511, %get3A_512, %get3A_513] {strides = array<i32>} : memref<2x40x512xf32, #tpu.memory_space<vmem>>, vector<1x1x16xf32>,
        %get3A_515 = vector.shape_cast %get3A_514 : vector<1x1x16xf32> to vector<16xf32>
        %swap3A_516 = arith.constant 0 : i32
        %swap3A_517 = arith.index_cast %swap3A_516 : i32 to index
        %swap3A_518 = arith.index_cast %scan3A_172 : i32 to index
        %swap3A_519 = arith.constant 416 : index
        %swap3A_520 = tpu.vector_load %arg11[%swap3A_517, %swap3A_518, %swap3A_519] {strides = array<i32>} : memref<2x40x512xf32, #tpu.memory_space<vmem>>, vector<1x1x16xf32>,
        %swap3A_521 = vector.shape_cast %swap3A_520 : vector<1x1x16xf32> to vector<16xf32>
        %swap3A_522 = vector.shape_cast %get3A_515 : vector<16xf32> to vector<1x1x16xf32>
        tpu.vector_store %arg11[%swap3A_517, %swap3A_518, %swap3A_519], %swap3A_522 {add = true, strides = array<i32>} : memref<2x40x512xf32, #tpu.memory_space<vmem>>, vector<1x1x16xf32>,
        %get3A_523 = arith.constant 0 : i32
        %get3A_524 = arith.index_cast %get3A_523 : i32 to index
        %get3A_525 = arith.index_cast %scan3A_172 : i32 to index
        %get3A_526 = arith.constant 432 : index
        %get3A_527 = tpu.vector_load %arg12[%get3A_524, %get3A_525, %get3A_526] {strides = array<i32>} : memref<2x40x512xf32, #tpu.memory_space<vmem>>, vector<1x1x16xf32>,
        %get3A_528 = vector.shape_cast %get3A_527 : vector<1x1x16xf32> to vector<16xf32>
        %swap3A_529 = arith.constant 0 : i32
        %swap3A_530 = arith.index_cast %swap3A_529 : i32 to index
        %swap3A_531 = arith.index_cast %scan3A_172 : i32 to index
        %swap3A_532 = arith.constant 432 : index
        %swap3A_533 = tpu.vector_load %arg11[%swap3A_530, %swap3A_531, %swap3A_532] {strides = array<i32>} : memref<2x40x512xf32, #tpu.memory_space<vmem>>, vector<1x1x16xf32>,
        %swap3A_534 = vector.shape_cast %swap3A_533 : vector<1x1x16xf32> to vector<16xf32>
        %swap3A_535 = vector.shape_cast %get3A_528 : vector<16xf32> to vector<1x1x16xf32>
        tpu.vector_store %arg11[%swap3A_530, %swap3A_531, %swap3A_532], %swap3A_535 {add = true, strides = array<i32>} : memref<2x40x512xf32, #tpu.memory_space<vmem>>, vector<1x1x16xf32>,
        %get3A_536 = arith.constant 0 : i32
        %get3A_537 = arith.index_cast %get3A_536 : i32 to index
        %get3A_538 = arith.index_cast %scan3A_172 : i32 to index
        %get3A_539 = arith.constant 448 : index
        %get3A_540 = tpu.vector_load %arg12[%get3A_537, %get3A_538, %get3A_539] {strides = array<i32>} : memref<2x40x512xf32, #tpu.memory_space<vmem>>, vector<1x1x16xf32>,
        %get3A_541 = vector.shape_cast %get3A_540 : vector<1x1x16xf32> to vector<16xf32>
        %swap3A_542 = arith.constant 0 : i32
        %swap3A_543 = arith.index_cast %swap3A_542 : i32 to index
        %swap3A_544 = arith.index_cast %scan3A_172 : i32 to index
        %swap3A_545 = arith.constant 448 : index
        %swap3A_546 = tpu.vector_load %arg11[%swap3A_543, %swap3A_544, %swap3A_545] {strides = array<i32>} : memref<2x40x512xf32, #tpu.memory_space<vmem>>, vector<1x1x16xf32>,
        %swap3A_547 = vector.shape_cast %swap3A_546 : vector<1x1x16xf32> to vector<16xf32>
        %swap3A_548 = vector.shape_cast %get3A_541 : vector<16xf32> to vector<1x1x16xf32>
        tpu.vector_store %arg11[%swap3A_543, %swap3A_544, %swap3A_545], %swap3A_548 {add = true, strides = array<i32>} : memref<2x40x512xf32, #tpu.memory_space<vmem>>, vector<1x1x16xf32>,
        %get3A_549 = arith.constant 0 : i32
        %get3A_550 = arith.index_cast %get3A_549 : i32 to index
        %get3A_551 = arith.index_cast %scan3A_172 : i32 to index
        %get3A_552 = arith.constant 464 : index
        %get3A_553 = tpu.vector_load %arg12[%get3A_550, %get3A_551, %get3A_552] {strides = array<i32>} : memref<2x40x512xf32, #tpu.memory_space<vmem>>, vector<1x1x16xf32>,
        %get3A_554 = vector.shape_cast %get3A_553 : vector<1x1x16xf32> to vector<16xf32>
        %swap3A_555 = arith.constant 0 : i32
        %swap3A_556 = arith.index_cast %swap3A_555 : i32 to index
        %swap3A_557 = arith.index_cast %scan3A_172 : i32 to index
        %swap3A_558 = arith.constant 464 : index
        %swap3A_559 = tpu.vector_load %arg11[%swap3A_556, %swap3A_557, %swap3A_558] {strides = array<i32>} : memref<2x40x512xf32, #tpu.memory_space<vmem>>, vector<1x1x16xf32>,
        %swap3A_560 = vector.shape_cast %swap3A_559 : vector<1x1x16xf32> to vector<16xf32>
        %swap3A_561 = vector.shape_cast %get3A_554 : vector<16xf32> to vector<1x1x16xf32>
        tpu.vector_store %arg11[%swap3A_556, %swap3A_557, %swap3A_558], %swap3A_561 {add = true, strides = array<i32>} : memref<2x40x512xf32, #tpu.memory_space<vmem>>, vector<1x1x16xf32>,
        %get3A_562 = arith.constant 0 : i32
        %get3A_563 = arith.index_cast %get3A_562 : i32 to index
        %get3A_564 = arith.index_cast %scan3A_172 : i32 to index
        %get3A_565 = arith.constant 480 : index
        %get3A_566 = tpu.vector_load %arg12[%get3A_563, %get3A_564, %get3A_565] {strides = array<i32>} : memref<2x40x512xf32, #tpu.memory_space<vmem>>, vector<1x1x16xf32>,
        %get3A_567 = vector.shape_cast %get3A_566 : vector<1x1x16xf32> to vector<16xf32>
        %swap3A_568 = arith.constant 0 : i32
        %swap3A_569 = arith.index_cast %swap3A_568 : i32 to index
        %swap3A_570 = arith.index_cast %scan3A_172 : i32 to index
        %swap3A_571 = arith.constant 480 : index
        %swap3A_572 = tpu.vector_load %arg11[%swap3A_569, %swap3A_570, %swap3A_571] {strides = array<i32>} : memref<2x40x512xf32, #tpu.memory_space<vmem>>, vector<1x1x16xf32>,
        %swap3A_573 = vector.shape_cast %swap3A_572 : vector<1x1x16xf32> to vector<16xf32>
        %swap3A_574 = vector.shape_cast %get3A_567 : vector<16xf32> to vector<1x1x16xf32>
        tpu.vector_store %arg11[%swap3A_569, %swap3A_570, %swap3A_571], %swap3A_574 {add = true, strides = array<i32>} : memref<2x40x512xf32, #tpu.memory_space<vmem>>, vector<1x1x16xf32>,
        %get3A_575 = arith.constant 0 : i32
        %get3A_576 = arith.index_cast %get3A_575 : i32 to index
        %get3A_577 = arith.index_cast %scan3A_172 : i32 to index
        %get3A_578 = arith.constant 496 : index
        %get3A_579 = tpu.vector_load %arg12[%get3A_576, %get3A_577, %get3A_578] {strides = array<i32>} : memref<2x40x512xf32, #tpu.memory_space<vmem>>, vector<1x1x16xf32>,
        %get3A_580 = vector.shape_cast %get3A_579 : vector<1x1x16xf32> to vector<16xf32>
        %swap3A_581 = arith.constant 0 : i32
        %swap3A_582 = arith.index_cast %swap3A_581 : i32 to index
        %swap3A_583 = arith.index_cast %scan3A_172 : i32 to index
        %swap3A_584 = arith.constant 496 : index
        %swap3A_585 = tpu.vector_load %arg11[%swap3A_582, %swap3A_583, %swap3A_584] {strides = array<i32>} : memref<2x40x512xf32, #tpu.memory_space<vmem>>, vector<1x1x16xf32>,
        %swap3A_586 = vector.shape_cast %swap3A_585 : vector<1x1x16xf32> to vector<16xf32>
        %swap3A_587 = vector.shape_cast %get3A_580 : vector<16xf32> to vector<1x1x16xf32>
        tpu.vector_store %arg11[%swap3A_582, %swap3A_583, %swap3A_584], %swap3A_587 {add = true, strides = array<i32>} : memref<2x40x512xf32, #tpu.memory_space<vmem>>, vector<1x1x16xf32>,
        %scan3A_588 = arith.constant 0 : i32
        scf.yield %scan3A_588 : i32
      }
      %scan3A_109 = arith.constant 40 : i32
      %dma_start3A_110 = arith.constant 0 : i32
      %dma_start3A_111 = arith.constant 0 : i32
      %dma_start3A_112 = arith.constant 0 : i32
      %dma_start3A_113 = tpu.memref_slice %arg11[%dma_start3A_110, %dma_start3A_111, %dma_start3A_112] : memref<2x40x512xf32, #tpu.memory_space<vmem>> -> memref<1x40x512xf32, #tpu.memory_space<vmem>>
      %dma_start3A_114 = tpu.memref_squeeze %dma_start3A_113 : memref<1x40x512xf32, #tpu.memory_space<vmem>> -> memref<40x512xf32, #tpu.memory_space<vmem>>
      %dma_start3A_115 = arith.constant 0 : i32
      %dma_start3A_116 = tpu.memref_slice %arg10[%mul3A_54, %dma_start3A_115] : memref<40x40xi32, #tpu.memory_space<vmem>> -> memref<1x40xi32, #tpu.memory_space<vmem>>
      %dma_start3A_117 = tpu.memref_squeeze %dma_start3A_116 : memref<1x40xi32, #tpu.memory_space<vmem>> -> memref<40xi32, #tpu.memory_space<vmem>>
      %dma_start3A_118 = arith.constant 0 : i32
      %dma_start3A_119 = arith.constant 0 : i32
      %dma_start3A_120 = tpu.memref_slice %arg7[%dma_start3A_118, %dma_start3A_119] : memref<51200x512xf32, #tpu.memory_space<hbm>> -> memref<51200x512xf32, #tpu.memory_space<hbm>>
      tpu.enqueue_indirect_dma source(%dma_start3A_114 : memref<40x512xf32, #tpu.memory_space<vmem>>) target(%dma_start3A_120 : memref<51200x512xf32, #tpu.memory_space<hbm>>) offsets(%dma_start3A_117 : memref<40xi32, #tpu.memory_space<vmem>>) semaphore(%arg17 : memref<!tpu.dma_semaphore, #tpu.memory_space<semaphore_mem>>)
      %add3A_121 = arith.constant 1 : i32
      %add3A_122 = arith.addi %scan3A_51, %add3A_121 : i32
      %lt3A = arith.constant 20 : i32
      %lt3A_123 = arith.cmpi slt, %add3A_122, %lt3A : i32
      %convert_element_type3A_124 = arith.extui %lt3A_123 : i1 to i32
      %cond3A_125 = arith.constant 0 : i32
      %cond3A_126 = arith.cmpi ne, %convert_element_type3A_124, %cond3A_125 : i32
      scf.if %cond3A_126 {
        %dma_wait3A_172 = arith.constant 0 : i32
        %dma_wait3A_173 = arith.constant 0 : i32
        %dma_wait3A_174 = arith.constant 0 : i32
        %dma_wait3A_175 = tpu.memref_slice %arg11[%dma_wait3A_172, %dma_wait3A_173, %dma_wait3A_174] : memref<2x40x512xf32, #tpu.memory_space<vmem>> -> memref<1x40x512xf32, #tpu.memory_space<vmem>>
        %dma_wait3A_176 = tpu.memref_squeeze %dma_wait3A_175 : memref<1x40x512xf32, #tpu.memory_space<vmem>> -> memref<40x512xf32, #tpu.memory_space<vmem>>
        %dma_wait3A_177 = arith.constant 0 : i32
        %dma_wait3A_178 = tpu.memref_slice %arg10[%mul3A_54, %dma_wait3A_177] : memref<40x40xi32, #tpu.memory_space<vmem>> -> memref<1x40xi32, #tpu.memory_space<vmem>>
        %dma_wait3A_179 = tpu.memref_squeeze %dma_wait3A_178 : memref<1x40xi32, #tpu.memory_space<vmem>> -> memref<40xi32, #tpu.memory_space<vmem>>
        %dma_wait3A_180 = arith.constant 0 : i32
        %dma_wait3A_181 = arith.constant 0 : i32
        %dma_wait3A_182 = tpu.memref_slice %arg7[%dma_wait3A_180, %dma_wait3A_181] : memref<51200x512xf32, #tpu.memory_space<hbm>> -> memref<51200x512xf32, #tpu.memory_space<hbm>>
        tpu.wait_indirect_dma semaphore(%arg17 : memref<!tpu.dma_semaphore, #tpu.memory_space<semaphore_mem>>) src(%dma_wait3A_176 : memref<40x512xf32, #tpu.memory_space<vmem>>) dst(%dma_wait3A_182 : memref<51200x512xf32, #tpu.memory_space<hbm>>)
        %add3A_183 = arith.constant 2 : i32
        %add3A_184 = arith.addi %mul3A_54, %add3A_183 : i32
        %mul3A_185 = arith.constant 40 : i32
        %mul3A_186 = arith.muli %add3A_184, %mul3A_185 : i32
        %dma_start3A_187 = arith.constant 0 : i32
        %dma_start3A_188 = arith.constant 0 : i32
        %dma_start3A_189 = arith.constant 0 : i32
        %dma_start3A_190 = tpu.memref_slice %arg11[%dma_start3A_187, %dma_start3A_188, %dma_start3A_189] : memref<2x40x512xf32, #tpu.memory_space<vmem>> -> memref<1x40x512xf32, #tpu.memory_space<vmem>>
        %dma_start3A_191 = tpu.memref_squeeze %dma_start3A_190 : memref<1x40x512xf32, #tpu.memory_space<vmem>> -> memref<40x512xf32, #tpu.memory_space<vmem>>
        %dma_start3A_192 = tpu.memref_slice %arg8[%mul3A_186] : memref<1600xi32, #tpu.memory_space<vmem>> -> memref<40xi32, #tpu.memory_space<vmem>>
        %dma_start3A_193 = arith.constant 0 : i32
        %dma_start3A_194 = arith.constant 0 : i32
        %dma_start3A_195 = tpu.memref_slice %arg5[%dma_start3A_193, %dma_start3A_194] : memref<100000x512xf32, #tpu.memory_space<hbm>> -> memref<100000x512xf32, #tpu.memory_space<hbm>>
        tpu.enqueue_indirect_dma source(%dma_start3A_195 : memref<100000x512xf32, #tpu.memory_space<hbm>>) target(%dma_start3A_191 : memref<40x512xf32, #tpu.memory_space<vmem>>) offsets(%dma_start3A_192 : memref<40xi32, #tpu.memory_space<vmem>>) semaphore(%arg13 : memref<!tpu.dma_semaphore, #tpu.memory_space<semaphore_mem>>)
        %mul3A_196 = arith.constant 40 : i32
        %mul3A_197 = arith.muli %add3A_184, %mul3A_196 : i32
        %dma_start3A_198 = arith.constant 0 : i32
        %dma_start3A_199 = arith.constant 0 : i32
        %dma_start3A_200 = arith.constant 0 : i32
        %dma_start3A_201 = tpu.memref_slice %arg12[%dma_start3A_198, %dma_start3A_199, %dma_start3A_200] : memref<2x40x512xf32, #tpu.memory_space<vmem>> -> memref<1x40x512xf32, #tpu.memory_space<vmem>>
        %dma_start3A_202 = tpu.memref_squeeze %dma_start3A_201 : memref<1x40x512xf32, #tpu.memory_space<vmem>> -> memref<40x512xf32, #tpu.memory_space<vmem>>
        %dma_start3A_203 = tpu.memref_slice %arg9[%mul3A_197] : memref<1600xi32, #tpu.memory_space<vmem>> -> memref<40xi32, #tpu.memory_space<vmem>>
        %dma_start3A_204 = arith.constant 0 : i32
        %dma_start3A_205 = arith.constant 0 : i32
        %dma_start3A_206 = tpu.memref_slice %arg6[%dma_start3A_204, %dma_start3A_205] : memref<100x512xf32, #tpu.memory_space<hbm>> -> memref<100x512xf32, #tpu.memory_space<hbm>>
        tpu.enqueue_indirect_dma source(%dma_start3A_206 : memref<100x512xf32, #tpu.memory_space<hbm>>) target(%dma_start3A_202 : memref<40x512xf32, #tpu.memory_space<vmem>>) offsets(%dma_start3A_203 : memref<40xi32, #tpu.memory_space<vmem>>) semaphore(%arg15 : memref<!tpu.dma_semaphore, #tpu.memory_space<semaphore_mem>>)
      } else {
      }
      %add3A_127 = arith.constant 1 : i32
      %add3A_128 = arith.addi %mul3A_54, %add3A_127 : i32
      %mul3A_129 = arith.constant 40 : i32
      %mul3A_130 = arith.muli %add3A_128, %mul3A_129 : i32
      %dma_wait3A_131 = arith.constant 1 : i32
      %dma_wait3A_132 = arith.constant 0 : i32
      %dma_wait3A_133 = arith.constant 0 : i32
      %dma_wait3A_134 = tpu.memref_slice %arg11[%dma_wait3A_131, %dma_wait3A_132, %dma_wait3A_133] : memref<2x40x512xf32, #tpu.memory_space<vmem>> -> memref<1x40x512xf32, #tpu.memory_space<vmem>>
      %dma_wait3A_135 = tpu.memref_squeeze %dma_wait3A_134 : memref<1x40x512xf32, #tpu.memory_space<vmem>> -> memref<40x512xf32, #tpu.memory_space<vmem>>
      %dma_wait3A_136 = tpu.memref_slice %arg8[%mul3A_130] : memref<1600xi32, #tpu.memory_space<vmem>> -> memref<40xi32, #tpu.memory_space<vmem>>
      %dma_wait3A_137 = arith.constant 0 : i32
      %dma_wait3A_138 = arith.constant 0 : i32
      %dma_wait3A_139 = tpu.memref_slice %arg5[%dma_wait3A_137, %dma_wait3A_138] : memref<100000x512xf32, #tpu.memory_space<hbm>> -> memref<100000x512xf32, #tpu.memory_space<hbm>>
      tpu.wait_indirect_dma semaphore(%arg14 : memref<!tpu.dma_semaphore, #tpu.memory_space<semaphore_mem>>) src(%dma_wait3A_139 : memref<100000x512xf32, #tpu.memory_space<hbm>>) dst(%dma_wait3A_135 : memref<40x512xf32, #tpu.memory_space<vmem>>)
      %mul3A_140 = arith.constant 40 : i32
      %mul3A_141 = arith.muli %add3A_128, %mul3A_140 : i32
      %dma_wait3A_142 = arith.constant 1 : i32
      %dma_wait3A_143 = arith.constant 0 : i32
      %dma_wait3A_144 = arith.constant 0 : i32
      %dma_wait3A_145 = tpu.memref_slice %arg12[%dma_wait3A_142, %dma_wait3A_143, %dma_wait3A_144] : memref<2x40x512xf32, #tpu.memory_space<vmem>> -> memref<1x40x512xf32, #tpu.memory_space<vmem>>
      %dma_wait3A_146 = tpu.memref_squeeze %dma_wait3A_145 : memref<1x40x512xf32, #tpu.memory_space<vmem>> -> memref<40x512xf32, #tpu.memory_space<vmem>>
      %dma_wait3A_147 = tpu.memref_slice %arg9[%mul3A_141] : memref<1600xi32, #tpu.memory_space<vmem>> -> memref<40xi32, #tpu.memory_space<vmem>>
      %dma_wait3A_148 = arith.constant 0 : i32
      %dma_wait3A_149 = arith.constant 0 : i32
      %dma_wait3A_150 = tpu.memref_slice %arg6[%dma_wait3A_148, %dma_wait3A_149] : memref<100x512xf32, #tpu.memory_space<hbm>> -> memref<100x512xf32, #tpu.memory_space<hbm>>
      tpu.wait_indirect_dma semaphore(%arg16 : memref<!tpu.dma_semaphore, #tpu.memory_space<semaphore_mem>>) src(%dma_wait3A_150 : memref<100x512xf32, #tpu.memory_space<hbm>>) dst(%dma_wait3A_146 : memref<40x512xf32, #tpu.memory_space<vmem>>)
      %scan3A_151 = arith.constant 0 : i32
      %scan3A_152 = arith.constant 0 : i32
      %scan3A_153 = arith.constant 40 : i32
      %scan3A_154 = arith.addi %scan3A_152, %scan3A_153 : i32
      %scan3A_155 = arith.constant 1 : i32
      %scan3A_156 = scf.for %scan3A_172 = %scan3A_152 to %scan3A_154 step %scan3A_155 iter_args(%scan3A_173 = %scan3A_151) -> (i32)  : i32 {
        %get3A = arith.constant 1 : i32
        %get3A_174 = arith.index_cast %get3A : i32 to index
        %get3A_175 = arith.index_cast %scan3A_172 : i32 to index
        %get3A_176 = arith.constant 0 : index
        %get3A_177 = tpu.vector_load %arg12[%get3A_174, %get3A_175, %get3A_176] {strides = array<i32>} : memref<2x40x512xf32, #tpu.memory_space<vmem>>, vector<1x1x16xf32>,
        %get3A_178 = vector.shape_cast %get3A_177 : vector<1x1x16xf32> to vector<16xf32>
        %swap3A = arith.constant 1 : i32
        %swap3A_179 = arith.index_cast %swap3A : i32 to index
        %swap3A_180 = arith.index_cast %scan3A_172 : i32 to index
        %swap3A_181 = arith.constant 0 : index
        %swap3A_182 = tpu.vector_load %arg11[%swap3A_179, %swap3A_180, %swap3A_181] {strides = array<i32>} : memref<2x40x512xf32, #tpu.memory_space<vmem>>, vector<1x1x16xf32>,
        %swap3A_183 = vector.shape_cast %swap3A_182 : vector<1x1x16xf32> to vector<16xf32>
        %swap3A_184 = vector.shape_cast %get3A_178 : vector<16xf32> to vector<1x1x16xf32>
        tpu.vector_store %arg11[%swap3A_179, %swap3A_180, %swap3A_181], %swap3A_184 {add = true, strides = array<i32>} : memref<2x40x512xf32, #tpu.memory_space<vmem>>, vector<1x1x16xf32>,
        %get3A_185 = arith.constant 1 : i32
        %get3A_186 = arith.index_cast %get3A_185 : i32 to index
        %get3A_187 = arith.index_cast %scan3A_172 : i32 to index
        %get3A_188 = arith.constant 16 : index
        %get3A_189 = tpu.vector_load %arg12[%get3A_186, %get3A_187, %get3A_188] {strides = array<i32>} : memref<2x40x512xf32, #tpu.memory_space<vmem>>, vector<1x1x16xf32>,
        %get3A_190 = vector.shape_cast %get3A_189 : vector<1x1x16xf32> to vector<16xf32>
        %swap3A_191 = arith.constant 1 : i32
        %swap3A_192 = arith.index_cast %swap3A_191 : i32 to index
        %swap3A_193 = arith.index_cast %scan3A_172 : i32 to index
        %swap3A_194 = arith.constant 16 : index
        %swap3A_195 = tpu.vector_load %arg11[%swap3A_192, %swap3A_193, %swap3A_194] {strides = array<i32>} : memref<2x40x512xf32, #tpu.memory_space<vmem>>, vector<1x1x16xf32>,
        %swap3A_196 = vector.shape_cast %swap3A_195 : vector<1x1x16xf32> to vector<16xf32>
        %swap3A_197 = vector.shape_cast %get3A_190 : vector<16xf32> to vector<1x1x16xf32>
        tpu.vector_store %arg11[%swap3A_192, %swap3A_193, %swap3A_194], %swap3A_197 {add = true, strides = array<i32>} : memref<2x40x512xf32, #tpu.memory_space<vmem>>, vector<1x1x16xf32>,
        %get3A_198 = arith.constant 1 : i32
        %get3A_199 = arith.index_cast %get3A_198 : i32 to index
        %get3A_200 = arith.index_cast %scan3A_172 : i32 to index
        %get3A_201 = arith.constant 32 : index
        %get3A_202 = tpu.vector_load %arg12[%get3A_199, %get3A_200, %get3A_201] {strides = array<i32>} : memref<2x40x512xf32, #tpu.memory_space<vmem>>, vector<1x1x16xf32>,
        %get3A_203 = vector.shape_cast %get3A_202 : vector<1x1x16xf32> to vector<16xf32>
        %swap3A_204 = arith.constant 1 : i32
        %swap3A_205 = arith.index_cast %swap3A_204 : i32 to index
        %swap3A_206 = arith.index_cast %scan3A_172 : i32 to index
        %swap3A_207 = arith.constant 32 : index
        %swap3A_208 = tpu.vector_load %arg11[%swap3A_205, %swap3A_206, %swap3A_207] {strides = array<i32>} : memref<2x40x512xf32, #tpu.memory_space<vmem>>, vector<1x1x16xf32>,
        %swap3A_209 = vector.shape_cast %swap3A_208 : vector<1x1x16xf32> to vector<16xf32>
        %swap3A_210 = vector.shape_cast %get3A_203 : vector<16xf32> to vector<1x1x16xf32>
        tpu.vector_store %arg11[%swap3A_205, %swap3A_206, %swap3A_207], %swap3A_210 {add = true, strides = array<i32>} : memref<2x40x512xf32, #tpu.memory_space<vmem>>, vector<1x1x16xf32>,
        %get3A_211 = arith.constant 1 : i32
        %get3A_212 = arith.index_cast %get3A_211 : i32 to index
        %get3A_213 = arith.index_cast %scan3A_172 : i32 to index
        %get3A_214 = arith.constant 48 : index
        %get3A_215 = tpu.vector_load %arg12[%get3A_212, %get3A_213, %get3A_214] {strides = array<i32>} : memref<2x40x512xf32, #tpu.memory_space<vmem>>, vector<1x1x16xf32>,
        %get3A_216 = vector.shape_cast %get3A_215 : vector<1x1x16xf32> to vector<16xf32>
        %swap3A_217 = arith.constant 1 : i32
        %swap3A_218 = arith.index_cast %swap3A_217 : i32 to index
        %swap3A_219 = arith.index_cast %scan3A_172 : i32 to index
        %swap3A_220 = arith.constant 48 : index
        %swap3A_221 = tpu.vector_load %arg11[%swap3A_218, %swap3A_219, %swap3A_220] {strides = array<i32>} : memref<2x40x512xf32, #tpu.memory_space<vmem>>, vector<1x1x16xf32>,
        %swap3A_222 = vector.shape_cast %swap3A_221 : vector<1x1x16xf32> to vector<16xf32>
        %swap3A_223 = vector.shape_cast %get3A_216 : vector<16xf32> to vector<1x1x16xf32>
        tpu.vector_store %arg11[%swap3A_218, %swap3A_219, %swap3A_220], %swap3A_223 {add = true, strides = array<i32>} : memref<2x40x512xf32, #tpu.memory_space<vmem>>, vector<1x1x16xf32>,
        %get3A_224 = arith.constant 1 : i32
        %get3A_225 = arith.index_cast %get3A_224 : i32 to index
        %get3A_226 = arith.index_cast %scan3A_172 : i32 to index
        %get3A_227 = arith.constant 64 : index
        %get3A_228 = tpu.vector_load %arg12[%get3A_225, %get3A_226, %get3A_227] {strides = array<i32>} : memref<2x40x512xf32, #tpu.memory_space<vmem>>, vector<1x1x16xf32>,
        %get3A_229 = vector.shape_cast %get3A_228 : vector<1x1x16xf32> to vector<16xf32>
        %swap3A_230 = arith.constant 1 : i32
        %swap3A_231 = arith.index_cast %swap3A_230 : i32 to index
        %swap3A_232 = arith.index_cast %scan3A_172 : i32 to index
        %swap3A_233 = arith.constant 64 : index
        %swap3A_234 = tpu.vector_load %arg11[%swap3A_231, %swap3A_232, %swap3A_233] {strides = array<i32>} : memref<2x40x512xf32, #tpu.memory_space<vmem>>, vector<1x1x16xf32>,
        %swap3A_235 = vector.shape_cast %swap3A_234 : vector<1x1x16xf32> to vector<16xf32>
        %swap3A_236 = vector.shape_cast %get3A_229 : vector<16xf32> to vector<1x1x16xf32>
        tpu.vector_store %arg11[%swap3A_231, %swap3A_232, %swap3A_233], %swap3A_236 {add = true, strides = array<i32>} : memref<2x40x512xf32, #tpu.memory_space<vmem>>, vector<1x1x16xf32>,
        %get3A_237 = arith.constant 1 : i32
        %get3A_238 = arith.index_cast %get3A_237 : i32 to index
        %get3A_239 = arith.index_cast %scan3A_172 : i32 to index
        %get3A_240 = arith.constant 80 : index
        %get3A_241 = tpu.vector_load %arg12[%get3A_238, %get3A_239, %get3A_240] {strides = array<i32>} : memref<2x40x512xf32, #tpu.memory_space<vmem>>, vector<1x1x16xf32>,
        %get3A_242 = vector.shape_cast %get3A_241 : vector<1x1x16xf32> to vector<16xf32>
        %swap3A_243 = arith.constant 1 : i32
        %swap3A_244 = arith.index_cast %swap3A_243 : i32 to index
        %swap3A_245 = arith.index_cast %scan3A_172 : i32 to index
        %swap3A_246 = arith.constant 80 : index
        %swap3A_247 = tpu.vector_load %arg11[%swap3A_244, %swap3A_245, %swap3A_246] {strides = array<i32>} : memref<2x40x512xf32, #tpu.memory_space<vmem>>, vector<1x1x16xf32>,
        %swap3A_248 = vector.shape_cast %swap3A_247 : vector<1x1x16xf32> to vector<16xf32>
        %swap3A_249 = vector.shape_cast %get3A_242 : vector<16xf32> to vector<1x1x16xf32>
        tpu.vector_store %arg11[%swap3A_244, %swap3A_245, %swap3A_246], %swap3A_249 {add = true, strides = array<i32>} : memref<2x40x512xf32, #tpu.memory_space<vmem>>, vector<1x1x16xf32>,
        %get3A_250 = arith.constant 1 : i32
        %get3A_251 = arith.index_cast %get3A_250 : i32 to index
        %get3A_252 = arith.index_cast %scan3A_172 : i32 to index
        %get3A_253 = arith.constant 96 : index
        %get3A_254 = tpu.vector_load %arg12[%get3A_251, %get3A_252, %get3A_253] {strides = array<i32>} : memref<2x40x512xf32, #tpu.memory_space<vmem>>, vector<1x1x16xf32>,
        %get3A_255 = vector.shape_cast %get3A_254 : vector<1x1x16xf32> to vector<16xf32>
        %swap3A_256 = arith.constant 1 : i32
        %swap3A_257 = arith.index_cast %swap3A_256 : i32 to index
        %swap3A_258 = arith.index_cast %scan3A_172 : i32 to index
        %swap3A_259 = arith.constant 96 : index
        %swap3A_260 = tpu.vector_load %arg11[%swap3A_257, %swap3A_258, %swap3A_259] {strides = array<i32>} : memref<2x40x512xf32, #tpu.memory_space<vmem>>, vector<1x1x16xf32>,
        %swap3A_261 = vector.shape_cast %swap3A_260 : vector<1x1x16xf32> to vector<16xf32>
        %swap3A_262 = vector.shape_cast %get3A_255 : vector<16xf32> to vector<1x1x16xf32>
        tpu.vector_store %arg11[%swap3A_257, %swap3A_258, %swap3A_259], %swap3A_262 {add = true, strides = array<i32>} : memref<2x40x512xf32, #tpu.memory_space<vmem>>, vector<1x1x16xf32>,
        %get3A_263 = arith.constant 1 : i32
        %get3A_264 = arith.index_cast %get3A_263 : i32 to index
        %get3A_265 = arith.index_cast %scan3A_172 : i32 to index
        %get3A_266 = arith.constant 112 : index
        %get3A_267 = tpu.vector_load %arg12[%get3A_264, %get3A_265, %get3A_266] {strides = array<i32>} : memref<2x40x512xf32, #tpu.memory_space<vmem>>, vector<1x1x16xf32>,
        %get3A_268 = vector.shape_cast %get3A_267 : vector<1x1x16xf32> to vector<16xf32>
        %swap3A_269 = arith.constant 1 : i32
        %swap3A_270 = arith.index_cast %swap3A_269 : i32 to index
        %swap3A_271 = arith.index_cast %scan3A_172 : i32 to index
        %swap3A_272 = arith.constant 112 : index
        %swap3A_273 = tpu.vector_load %arg11[%swap3A_270, %swap3A_271, %swap3A_272] {strides = array<i32>} : memref<2x40x512xf32, #tpu.memory_space<vmem>>, vector<1x1x16xf32>,
        %swap3A_274 = vector.shape_cast %swap3A_273 : vector<1x1x16xf32> to vector<16xf32>
        %swap3A_275 = vector.shape_cast %get3A_268 : vector<16xf32> to vector<1x1x16xf32>
        tpu.vector_store %arg11[%swap3A_270, %swap3A_271, %swap3A_272], %swap3A_275 {add = true, strides = array<i32>} : memref<2x40x512xf32, #tpu.memory_space<vmem>>, vector<1x1x16xf32>,
        %get3A_276 = arith.constant 1 : i32
        %get3A_277 = arith.index_cast %get3A_276 : i32 to index
        %get3A_278 = arith.index_cast %scan3A_172 : i32 to index
        %get3A_279 = arith.constant 128 : index
        %get3A_280 = tpu.vector_load %arg12[%get3A_277, %get3A_278, %get3A_279] {strides = array<i32>} : memref<2x40x512xf32, #tpu.memory_space<vmem>>, vector<1x1x16xf32>,
        %get3A_281 = vector.shape_cast %get3A_280 : vector<1x1x16xf32> to vector<16xf32>
        %swap3A_282 = arith.constant 1 : i32
        %swap3A_283 = arith.index_cast %swap3A_282 : i32 to index
        %swap3A_284 = arith.index_cast %scan3A_172 : i32 to index
        %swap3A_285 = arith.constant 128 : index
        %swap3A_286 = tpu.vector_load %arg11[%swap3A_283, %swap3A_284, %swap3A_285] {strides = array<i32>} : memref<2x40x512xf32, #tpu.memory_space<vmem>>, vector<1x1x16xf32>,
        %swap3A_287 = vector.shape_cast %swap3A_286 : vector<1x1x16xf32> to vector<16xf32>
        %swap3A_288 = vector.shape_cast %get3A_281 : vector<16xf32> to vector<1x1x16xf32>
        tpu.vector_store %arg11[%swap3A_283, %swap3A_284, %swap3A_285], %swap3A_288 {add = true, strides = array<i32>} : memref<2x40x512xf32, #tpu.memory_space<vmem>>, vector<1x1x16xf32>,
        %get3A_289 = arith.constant 1 : i32
        %get3A_290 = arith.index_cast %get3A_289 : i32 to index
        %get3A_291 = arith.index_cast %scan3A_172 : i32 to index
        %get3A_292 = arith.constant 144 : index
        %get3A_293 = tpu.vector_load %arg12[%get3A_290, %get3A_291, %get3A_292] {strides = array<i32>} : memref<2x40x512xf32, #tpu.memory_space<vmem>>, vector<1x1x16xf32>,
        %get3A_294 = vector.shape_cast %get3A_293 : vector<1x1x16xf32> to vector<16xf32>
        %swap3A_295 = arith.constant 1 : i32
        %swap3A_296 = arith.index_cast %swap3A_295 : i32 to index
        %swap3A_297 = arith.index_cast %scan3A_172 : i32 to index
        %swap3A_298 = arith.constant 144 : index
        %swap3A_299 = tpu.vector_load %arg11[%swap3A_296, %swap3A_297, %swap3A_298] {strides = array<i32>} : memref<2x40x512xf32, #tpu.memory_space<vmem>>, vector<1x1x16xf32>,
        %swap3A_300 = vector.shape_cast %swap3A_299 : vector<1x1x16xf32> to vector<16xf32>
        %swap3A_301 = vector.shape_cast %get3A_294 : vector<16xf32> to vector<1x1x16xf32>
        tpu.vector_store %arg11[%swap3A_296, %swap3A_297, %swap3A_298], %swap3A_301 {add = true, strides = array<i32>} : memref<2x40x512xf32, #tpu.memory_space<vmem>>, vector<1x1x16xf32>,
        %get3A_302 = arith.constant 1 : i32
        %get3A_303 = arith.index_cast %get3A_302 : i32 to index
        %get3A_304 = arith.index_cast %scan3A_172 : i32 to index
        %get3A_305 = arith.constant 160 : index
        %get3A_306 = tpu.vector_load %arg12[%get3A_303, %get3A_304, %get3A_305] {strides = array<i32>} : memref<2x40x512xf32, #tpu.memory_space<vmem>>, vector<1x1x16xf32>,
        %get3A_307 = vector.shape_cast %get3A_306 : vector<1x1x16xf32> to vector<16xf32>
        %swap3A_308 = arith.constant 1 : i32
        %swap3A_309 = arith.index_cast %swap3A_308 : i32 to index
        %swap3A_310 = arith.index_cast %scan3A_172 : i32 to index
        %swap3A_311 = arith.constant 160 : index
        %swap3A_312 = tpu.vector_load %arg11[%swap3A_309, %swap3A_310, %swap3A_311] {strides = array<i32>} : memref<2x40x512xf32, #tpu.memory_space<vmem>>, vector<1x1x16xf32>,
        %swap3A_313 = vector.shape_cast %swap3A_312 : vector<1x1x16xf32> to vector<16xf32>
        %swap3A_314 = vector.shape_cast %get3A_307 : vector<16xf32> to vector<1x1x16xf32>
        tpu.vector_store %arg11[%swap3A_309, %swap3A_310, %swap3A_311], %swap3A_314 {add = true, strides = array<i32>} : memref<2x40x512xf32, #tpu.memory_space<vmem>>, vector<1x1x16xf32>,
        %get3A_315 = arith.constant 1 : i32
        %get3A_316 = arith.index_cast %get3A_315 : i32 to index
        %get3A_317 = arith.index_cast %scan3A_172 : i32 to index
        %get3A_318 = arith.constant 176 : index
        %get3A_319 = tpu.vector_load %arg12[%get3A_316, %get3A_317, %get3A_318] {strides = array<i32>} : memref<2x40x512xf32, #tpu.memory_space<vmem>>, vector<1x1x16xf32>,
        %get3A_320 = vector.shape_cast %get3A_319 : vector<1x1x16xf32> to vector<16xf32>
        %swap3A_321 = arith.constant 1 : i32
        %swap3A_322 = arith.index_cast %swap3A_321 : i32 to index
        %swap3A_323 = arith.index_cast %scan3A_172 : i32 to index
        %swap3A_324 = arith.constant 176 : index
        %swap3A_325 = tpu.vector_load %arg11[%swap3A_322, %swap3A_323, %swap3A_324] {strides = array<i32>} : memref<2x40x512xf32, #tpu.memory_space<vmem>>, vector<1x1x16xf32>,
        %swap3A_326 = vector.shape_cast %swap3A_325 : vector<1x1x16xf32> to vector<16xf32>
        %swap3A_327 = vector.shape_cast %get3A_320 : vector<16xf32> to vector<1x1x16xf32>
        tpu.vector_store %arg11[%swap3A_322, %swap3A_323, %swap3A_324], %swap3A_327 {add = true, strides = array<i32>} : memref<2x40x512xf32, #tpu.memory_space<vmem>>, vector<1x1x16xf32>,
        %get3A_328 = arith.constant 1 : i32
        %get3A_329 = arith.index_cast %get3A_328 : i32 to index
        %get3A_330 = arith.index_cast %scan3A_172 : i32 to index
        %get3A_331 = arith.constant 192 : index
        %get3A_332 = tpu.vector_load %arg12[%get3A_329, %get3A_330, %get3A_331] {strides = array<i32>} : memref<2x40x512xf32, #tpu.memory_space<vmem>>, vector<1x1x16xf32>,
        %get3A_333 = vector.shape_cast %get3A_332 : vector<1x1x16xf32> to vector<16xf32>
        %swap3A_334 = arith.constant 1 : i32
        %swap3A_335 = arith.index_cast %swap3A_334 : i32 to index
        %swap3A_336 = arith.index_cast %scan3A_172 : i32 to index
        %swap3A_337 = arith.constant 192 : index
        %swap3A_338 = tpu.vector_load %arg11[%swap3A_335, %swap3A_336, %swap3A_337] {strides = array<i32>} : memref<2x40x512xf32, #tpu.memory_space<vmem>>, vector<1x1x16xf32>,
        %swap3A_339 = vector.shape_cast %swap3A_338 : vector<1x1x16xf32> to vector<16xf32>
        %swap3A_340 = vector.shape_cast %get3A_333 : vector<16xf32> to vector<1x1x16xf32>
        tpu.vector_store %arg11[%swap3A_335, %swap3A_336, %swap3A_337], %swap3A_340 {add = true, strides = array<i32>} : memref<2x40x512xf32, #tpu.memory_space<vmem>>, vector<1x1x16xf32>,
        %get3A_341 = arith.constant 1 : i32
        %get3A_342 = arith.index_cast %get3A_341 : i32 to index
        %get3A_343 = arith.index_cast %scan3A_172 : i32 to index
        %get3A_344 = arith.constant 208 : index
        %get3A_345 = tpu.vector_load %arg12[%get3A_342, %get3A_343, %get3A_344] {strides = array<i32>} : memref<2x40x512xf32, #tpu.memory_space<vmem>>, vector<1x1x16xf32>,
        %get3A_346 = vector.shape_cast %get3A_345 : vector<1x1x16xf32> to vector<16xf32>
        %swap3A_347 = arith.constant 1 : i32
        %swap3A_348 = arith.index_cast %swap3A_347 : i32 to index
        %swap3A_349 = arith.index_cast %scan3A_172 : i32 to index
        %swap3A_350 = arith.constant 208 : index
        %swap3A_351 = tpu.vector_load %arg11[%swap3A_348, %swap3A_349, %swap3A_350] {strides = array<i32>} : memref<2x40x512xf32, #tpu.memory_space<vmem>>, vector<1x1x16xf32>,
        %swap3A_352 = vector.shape_cast %swap3A_351 : vector<1x1x16xf32> to vector<16xf32>
        %swap3A_353 = vector.shape_cast %get3A_346 : vector<16xf32> to vector<1x1x16xf32>
        tpu.vector_store %arg11[%swap3A_348, %swap3A_349, %swap3A_350], %swap3A_353 {add = true, strides = array<i32>} : memref<2x40x512xf32, #tpu.memory_space<vmem>>, vector<1x1x16xf32>,
        %get3A_354 = arith.constant 1 : i32
        %get3A_355 = arith.index_cast %get3A_354 : i32 to index
        %get3A_356 = arith.index_cast %scan3A_172 : i32 to index
        %get3A_357 = arith.constant 224 : index
        %get3A_358 = tpu.vector_load %arg12[%get3A_355, %get3A_356, %get3A_357] {strides = array<i32>} : memref<2x40x512xf32, #tpu.memory_space<vmem>>, vector<1x1x16xf32>,
        %get3A_359 = vector.shape_cast %get3A_358 : vector<1x1x16xf32> to vector<16xf32>
        %swap3A_360 = arith.constant 1 : i32
        %swap3A_361 = arith.index_cast %swap3A_360 : i32 to index
        %swap3A_362 = arith.index_cast %scan3A_172 : i32 to index
        %swap3A_363 = arith.constant 224 : index
        %swap3A_364 = tpu.vector_load %arg11[%swap3A_361, %swap3A_362, %swap3A_363] {strides = array<i32>} : memref<2x40x512xf32, #tpu.memory_space<vmem>>, vector<1x1x16xf32>,
        %swap3A_365 = vector.shape_cast %swap3A_364 : vector<1x1x16xf32> to vector<16xf32>
        %swap3A_366 = vector.shape_cast %get3A_359 : vector<16xf32> to vector<1x1x16xf32>
        tpu.vector_store %arg11[%swap3A_361, %swap3A_362, %swap3A_363], %swap3A_366 {add = true, strides = array<i32>} : memref<2x40x512xf32, #tpu.memory_space<vmem>>, vector<1x1x16xf32>,
        %get3A_367 = arith.constant 1 : i32
        %get3A_368 = arith.index_cast %get3A_367 : i32 to index
        %get3A_369 = arith.index_cast %scan3A_172 : i32 to index
        %get3A_370 = arith.constant 240 : index
        %get3A_371 = tpu.vector_load %arg12[%get3A_368, %get3A_369, %get3A_370] {strides = array<i32>} : memref<2x40x512xf32, #tpu.memory_space<vmem>>, vector<1x1x16xf32>,
        %get3A_372 = vector.shape_cast %get3A_371 : vector<1x1x16xf32> to vector<16xf32>
        %swap3A_373 = arith.constant 1 : i32
        %swap3A_374 = arith.index_cast %swap3A_373 : i32 to index
        %swap3A_375 = arith.index_cast %scan3A_172 : i32 to index
        %swap3A_376 = arith.constant 240 : index
        %swap3A_377 = tpu.vector_load %arg11[%swap3A_374, %swap3A_375, %swap3A_376] {strides = array<i32>} : memref<2x40x512xf32, #tpu.memory_space<vmem>>, vector<1x1x16xf32>,
        %swap3A_378 = vector.shape_cast %swap3A_377 : vector<1x1x16xf32> to vector<16xf32>
        %swap3A_379 = vector.shape_cast %get3A_372 : vector<16xf32> to vector<1x1x16xf32>
        tpu.vector_store %arg11[%swap3A_374, %swap3A_375, %swap3A_376], %swap3A_379 {add = true, strides = array<i32>} : memref<2x40x512xf32, #tpu.memory_space<vmem>>, vector<1x1x16xf32>,
        %get3A_380 = arith.constant 1 : i32
        %get3A_381 = arith.index_cast %get3A_380 : i32 to index
        %get3A_382 = arith.index_cast %scan3A_172 : i32 to index
        %get3A_383 = arith.constant 256 : index
        %get3A_384 = tpu.vector_load %arg12[%get3A_381, %get3A_382, %get3A_383] {strides = array<i32>} : memref<2x40x512xf32, #tpu.memory_space<vmem>>, vector<1x1x16xf32>,
        %get3A_385 = vector.shape_cast %get3A_384 : vector<1x1x16xf32> to vector<16xf32>
        %swap3A_386 = arith.constant 1 : i32
        %swap3A_387 = arith.index_cast %swap3A_386 : i32 to index
        %swap3A_388 = arith.index_cast %scan3A_172 : i32 to index
        %swap3A_389 = arith.constant 256 : index
        %swap3A_390 = tpu.vector_load %arg11[%swap3A_387, %swap3A_388, %swap3A_389] {strides = array<i32>} : memref<2x40x512xf32, #tpu.memory_space<vmem>>, vector<1x1x16xf32>,
        %swap3A_391 = vector.shape_cast %swap3A_390 : vector<1x1x16xf32> to vector<16xf32>
        %swap3A_392 = vector.shape_cast %get3A_385 : vector<16xf32> to vector<1x1x16xf32>
        tpu.vector_store %arg11[%swap3A_387, %swap3A_388, %swap3A_389], %swap3A_392 {add = true, strides = array<i32>} : memref<2x40x512xf32, #tpu.memory_space<vmem>>, vector<1x1x16xf32>,
        %get3A_393 = arith.constant 1 : i32
        %get3A_394 = arith.index_cast %get3A_393 : i32 to index
        %get3A_395 = arith.index_cast %scan3A_172 : i32 to index
        %get3A_396 = arith.constant 272 : index
        %get3A_397 = tpu.vector_load %arg12[%get3A_394, %get3A_395, %get3A_396] {strides = array<i32>} : memref<2x40x512xf32, #tpu.memory_space<vmem>>, vector<1x1x16xf32>,
        %get3A_398 = vector.shape_cast %get3A_397 : vector<1x1x16xf32> to vector<16xf32>
        %swap3A_399 = arith.constant 1 : i32
        %swap3A_400 = arith.index_cast %swap3A_399 : i32 to index
        %swap3A_401 = arith.index_cast %scan3A_172 : i32 to index
        %swap3A_402 = arith.constant 272 : index
        %swap3A_403 = tpu.vector_load %arg11[%swap3A_400, %swap3A_401, %swap3A_402] {strides = array<i32>} : memref<2x40x512xf32, #tpu.memory_space<vmem>>, vector<1x1x16xf32>,
        %swap3A_404 = vector.shape_cast %swap3A_403 : vector<1x1x16xf32> to vector<16xf32>
        %swap3A_405 = vector.shape_cast %get3A_398 : vector<16xf32> to vector<1x1x16xf32>
        tpu.vector_store %arg11[%swap3A_400, %swap3A_401, %swap3A_402], %swap3A_405 {add = true, strides = array<i32>} : memref<2x40x512xf32, #tpu.memory_space<vmem>>, vector<1x1x16xf32>,
        %get3A_406 = arith.constant 1 : i32
        %get3A_407 = arith.index_cast %get3A_406 : i32 to index
        %get3A_408 = arith.index_cast %scan3A_172 : i32 to index
        %get3A_409 = arith.constant 288 : index
        %get3A_410 = tpu.vector_load %arg12[%get3A_407, %get3A_408, %get3A_409] {strides = array<i32>} : memref<2x40x512xf32, #tpu.memory_space<vmem>>, vector<1x1x16xf32>,
        %get3A_411 = vector.shape_cast %get3A_410 : vector<1x1x16xf32> to vector<16xf32>
        %swap3A_412 = arith.constant 1 : i32
        %swap3A_413 = arith.index_cast %swap3A_412 : i32 to index
        %swap3A_414 = arith.index_cast %scan3A_172 : i32 to index
        %swap3A_415 = arith.constant 288 : index
        %swap3A_416 = tpu.vector_load %arg11[%swap3A_413, %swap3A_414, %swap3A_415] {strides = array<i32>} : memref<2x40x512xf32, #tpu.memory_space<vmem>>, vector<1x1x16xf32>,
        %swap3A_417 = vector.shape_cast %swap3A_416 : vector<1x1x16xf32> to vector<16xf32>
        %swap3A_418 = vector.shape_cast %get3A_411 : vector<16xf32> to vector<1x1x16xf32>
        tpu.vector_store %arg11[%swap3A_413, %swap3A_414, %swap3A_415], %swap3A_418 {add = true, strides = array<i32>} : memref<2x40x512xf32, #tpu.memory_space<vmem>>, vector<1x1x16xf32>,
        %get3A_419 = arith.constant 1 : i32
        %get3A_420 = arith.index_cast %get3A_419 : i32 to index
        %get3A_421 = arith.index_cast %scan3A_172 : i32 to index
        %get3A_422 = arith.constant 304 : index
        %get3A_423 = tpu.vector_load %arg12[%get3A_420, %get3A_421, %get3A_422] {strides = array<i32>} : memref<2x40x512xf32, #tpu.memory_space<vmem>>, vector<1x1x16xf32>,
        %get3A_424 = vector.shape_cast %get3A_423 : vector<1x1x16xf32> to vector<16xf32>
        %swap3A_425 = arith.constant 1 : i32
        %swap3A_426 = arith.index_cast %swap3A_425 : i32 to index
        %swap3A_427 = arith.index_cast %scan3A_172 : i32 to index
        %swap3A_428 = arith.constant 304 : index
        %swap3A_429 = tpu.vector_load %arg11[%swap3A_426, %swap3A_427, %swap3A_428] {strides = array<i32>} : memref<2x40x512xf32, #tpu.memory_space<vmem>>, vector<1x1x16xf32>,
        %swap3A_430 = vector.shape_cast %swap3A_429 : vector<1x1x16xf32> to vector<16xf32>
        %swap3A_431 = vector.shape_cast %get3A_424 : vector<16xf32> to vector<1x1x16xf32>
        tpu.vector_store %arg11[%swap3A_426, %swap3A_427, %swap3A_428], %swap3A_431 {add = true, strides = array<i32>} : memref<2x40x512xf32, #tpu.memory_space<vmem>>, vector<1x1x16xf32>,
        %get3A_432 = arith.constant 1 : i32
        %get3A_433 = arith.index_cast %get3A_432 : i32 to index
        %get3A_434 = arith.index_cast %scan3A_172 : i32 to index
        %get3A_435 = arith.constant 320 : index
        %get3A_436 = tpu.vector_load %arg12[%get3A_433, %get3A_434, %get3A_435] {strides = array<i32>} : memref<2x40x512xf32, #tpu.memory_space<vmem>>, vector<1x1x16xf32>,
        %get3A_437 = vector.shape_cast %get3A_436 : vector<1x1x16xf32> to vector<16xf32>
        %swap3A_438 = arith.constant 1 : i32
        %swap3A_439 = arith.index_cast %swap3A_438 : i32 to index
        %swap3A_440 = arith.index_cast %scan3A_172 : i32 to index
        %swap3A_441 = arith.constant 320 : index
        %swap3A_442 = tpu.vector_load %arg11[%swap3A_439, %swap3A_440, %swap3A_441] {strides = array<i32>} : memref<2x40x512xf32, #tpu.memory_space<vmem>>, vector<1x1x16xf32>,
        %swap3A_443 = vector.shape_cast %swap3A_442 : vector<1x1x16xf32> to vector<16xf32>
        %swap3A_444 = vector.shape_cast %get3A_437 : vector<16xf32> to vector<1x1x16xf32>
        tpu.vector_store %arg11[%swap3A_439, %swap3A_440, %swap3A_441], %swap3A_444 {add = true, strides = array<i32>} : memref<2x40x512xf32, #tpu.memory_space<vmem>>, vector<1x1x16xf32>,
        %get3A_445 = arith.constant 1 : i32
        %get3A_446 = arith.index_cast %get3A_445 : i32 to index
        %get3A_447 = arith.index_cast %scan3A_172 : i32 to index
        %get3A_448 = arith.constant 336 : index
        %get3A_449 = tpu.vector_load %arg12[%get3A_446, %get3A_447, %get3A_448] {strides = array<i32>} : memref<2x40x512xf32, #tpu.memory_space<vmem>>, vector<1x1x16xf32>,
        %get3A_450 = vector.shape_cast %get3A_449 : vector<1x1x16xf32> to vector<16xf32>
        %swap3A_451 = arith.constant 1 : i32
        %swap3A_452 = arith.index_cast %swap3A_451 : i32 to index
        %swap3A_453 = arith.index_cast %scan3A_172 : i32 to index
        %swap3A_454 = arith.constant 336 : index
        %swap3A_455 = tpu.vector_load %arg11[%swap3A_452, %swap3A_453, %swap3A_454] {strides = array<i32>} : memref<2x40x512xf32, #tpu.memory_space<vmem>>, vector<1x1x16xf32>,
        %swap3A_456 = vector.shape_cast %swap3A_455 : vector<1x1x16xf32> to vector<16xf32>
        %swap3A_457 = vector.shape_cast %get3A_450 : vector<16xf32> to vector<1x1x16xf32>
        tpu.vector_store %arg11[%swap3A_452, %swap3A_453, %swap3A_454], %swap3A_457 {add = true, strides = array<i32>} : memref<2x40x512xf32, #tpu.memory_space<vmem>>, vector<1x1x16xf32>,
        %get3A_458 = arith.constant 1 : i32
        %get3A_459 = arith.index_cast %get3A_458 : i32 to index
        %get3A_460 = arith.index_cast %scan3A_172 : i32 to index
        %get3A_461 = arith.constant 352 : index
        %get3A_462 = tpu.vector_load %arg12[%get3A_459, %get3A_460, %get3A_461] {strides = array<i32>} : memref<2x40x512xf32, #tpu.memory_space<vmem>>, vector<1x1x16xf32>,
        %get3A_463 = vector.shape_cast %get3A_462 : vector<1x1x16xf32> to vector<16xf32>
        %swap3A_464 = arith.constant 1 : i32
        %swap3A_465 = arith.index_cast %swap3A_464 : i32 to index
        %swap3A_466 = arith.index_cast %scan3A_172 : i32 to index
        %swap3A_467 = arith.constant 352 : index
        %swap3A_468 = tpu.vector_load %arg11[%swap3A_465, %swap3A_466, %swap3A_467] {strides = array<i32>} : memref<2x40x512xf32, #tpu.memory_space<vmem>>, vector<1x1x16xf32>,
        %swap3A_469 = vector.shape_cast %swap3A_468 : vector<1x1x16xf32> to vector<16xf32>
        %swap3A_470 = vector.shape_cast %get3A_463 : vector<16xf32> to vector<1x1x16xf32>
        tpu.vector_store %arg11[%swap3A_465, %swap3A_466, %swap3A_467], %swap3A_470 {add = true, strides = array<i32>} : memref<2x40x512xf32, #tpu.memory_space<vmem>>, vector<1x1x16xf32>,
        %get3A_471 = arith.constant 1 : i32
        %get3A_472 = arith.index_cast %get3A_471 : i32 to index
        %get3A_473 = arith.index_cast %scan3A_172 : i32 to index
        %get3A_474 = arith.constant 368 : index
        %get3A_475 = tpu.vector_load %arg12[%get3A_472, %get3A_473, %get3A_474] {strides = array<i32>} : memref<2x40x512xf32, #tpu.memory_space<vmem>>, vector<1x1x16xf32>,
        %get3A_476 = vector.shape_cast %get3A_475 : vector<1x1x16xf32> to vector<16xf32>
        %swap3A_477 = arith.constant 1 : i32
        %swap3A_478 = arith.index_cast %swap3A_477 : i32 to index
        %swap3A_479 = arith.index_cast %scan3A_172 : i32 to index
        %swap3A_480 = arith.constant 368 : index
        %swap3A_481 = tpu.vector_load %arg11[%swap3A_478, %swap3A_479, %swap3A_480] {strides = array<i32>} : memref<2x40x512xf32, #tpu.memory_space<vmem>>, vector<1x1x16xf32>,
        %swap3A_482 = vector.shape_cast %swap3A_481 : vector<1x1x16xf32> to vector<16xf32>
        %swap3A_483 = vector.shape_cast %get3A_476 : vector<16xf32> to vector<1x1x16xf32>
        tpu.vector_store %arg11[%swap3A_478, %swap3A_479, %swap3A_480], %swap3A_483 {add = true, strides = array<i32>} : memref<2x40x512xf32, #tpu.memory_space<vmem>>, vector<1x1x16xf32>,
        %get3A_484 = arith.constant 1 : i32
        %get3A_485 = arith.index_cast %get3A_484 : i32 to index
        %get3A_486 = arith.index_cast %scan3A_172 : i32 to index
        %get3A_487 = arith.constant 384 : index
        %get3A_488 = tpu.vector_load %arg12[%get3A_485, %get3A_486, %get3A_487] {strides = array<i32>} : memref<2x40x512xf32, #tpu.memory_space<vmem>>, vector<1x1x16xf32>,
        %get3A_489 = vector.shape_cast %get3A_488 : vector<1x1x16xf32> to vector<16xf32>
        %swap3A_490 = arith.constant 1 : i32
        %swap3A_491 = arith.index_cast %swap3A_490 : i32 to index
        %swap3A_492 = arith.index_cast %scan3A_172 : i32 to index
        %swap3A_493 = arith.constant 384 : index
        %swap3A_494 = tpu.vector_load %arg11[%swap3A_491, %swap3A_492, %swap3A_493] {strides = array<i32>} : memref<2x40x512xf32, #tpu.memory_space<vmem>>, vector<1x1x16xf32>,
        %swap3A_495 = vector.shape_cast %swap3A_494 : vector<1x1x16xf32> to vector<16xf32>
        %swap3A_496 = vector.shape_cast %get3A_489 : vector<16xf32> to vector<1x1x16xf32>
        tpu.vector_store %arg11[%swap3A_491, %swap3A_492, %swap3A_493], %swap3A_496 {add = true, strides = array<i32>} : memref<2x40x512xf32, #tpu.memory_space<vmem>>, vector<1x1x16xf32>,
        %get3A_497 = arith.constant 1 : i32
        %get3A_498 = arith.index_cast %get3A_497 : i32 to index
        %get3A_499 = arith.index_cast %scan3A_172 : i32 to index
        %get3A_500 = arith.constant 400 : index
        %get3A_501 = tpu.vector_load %arg12[%get3A_498, %get3A_499, %get3A_500] {strides = array<i32>} : memref<2x40x512xf32, #tpu.memory_space<vmem>>, vector<1x1x16xf32>,
        %get3A_502 = vector.shape_cast %get3A_501 : vector<1x1x16xf32> to vector<16xf32>
        %swap3A_503 = arith.constant 1 : i32
        %swap3A_504 = arith.index_cast %swap3A_503 : i32 to index
        %swap3A_505 = arith.index_cast %scan3A_172 : i32 to index
        %swap3A_506 = arith.constant 400 : index
        %swap3A_507 = tpu.vector_load %arg11[%swap3A_504, %swap3A_505, %swap3A_506] {strides = array<i32>} : memref<2x40x512xf32, #tpu.memory_space<vmem>>, vector<1x1x16xf32>,
        %swap3A_508 = vector.shape_cast %swap3A_507 : vector<1x1x16xf32> to vector<16xf32>
        %swap3A_509 = vector.shape_cast %get3A_502 : vector<16xf32> to vector<1x1x16xf32>
        tpu.vector_store %arg11[%swap3A_504, %swap3A_505, %swap3A_506], %swap3A_509 {add = true, strides = array<i32>} : memref<2x40x512xf32, #tpu.memory_space<vmem>>, vector<1x1x16xf32>,
        %get3A_510 = arith.constant 1 : i32
        %get3A_511 = arith.index_cast %get3A_510 : i32 to index
        %get3A_512 = arith.index_cast %scan3A_172 : i32 to index
        %get3A_513 = arith.constant 416 : index
        %get3A_514 = tpu.vector_load %arg12[%get3A_511, %get3A_512, %get3A_513] {strides = array<i32>} : memref<2x40x512xf32, #tpu.memory_space<vmem>>, vector<1x1x16xf32>,
        %get3A_515 = vector.shape_cast %get3A_514 : vector<1x1x16xf32> to vector<16xf32>
        %swap3A_516 = arith.constant 1 : i32
        %swap3A_517 = arith.index_cast %swap3A_516 : i32 to index
        %swap3A_518 = arith.index_cast %scan3A_172 : i32 to index
        %swap3A_519 = arith.constant 416 : index
        %swap3A_520 = tpu.vector_load %arg11[%swap3A_517, %swap3A_518, %swap3A_519] {strides = array<i32>} : memref<2x40x512xf32, #tpu.memory_space<vmem>>, vector<1x1x16xf32>,
        %swap3A_521 = vector.shape_cast %swap3A_520 : vector<1x1x16xf32> to vector<16xf32>
        %swap3A_522 = vector.shape_cast %get3A_515 : vector<16xf32> to vector<1x1x16xf32>
        tpu.vector_store %arg11[%swap3A_517, %swap3A_518, %swap3A_519], %swap3A_522 {add = true, strides = array<i32>} : memref<2x40x512xf32, #tpu.memory_space<vmem>>, vector<1x1x16xf32>,
        %get3A_523 = arith.constant 1 : i32
        %get3A_524 = arith.index_cast %get3A_523 : i32 to index
        %get3A_525 = arith.index_cast %scan3A_172 : i32 to index
        %get3A_526 = arith.constant 432 : index
        %get3A_527 = tpu.vector_load %arg12[%get3A_524, %get3A_525, %get3A_526] {strides = array<i32>} : memref<2x40x512xf32, #tpu.memory_space<vmem>>, vector<1x1x16xf32>,
        %get3A_528 = vector.shape_cast %get3A_527 : vector<1x1x16xf32> to vector<16xf32>
        %swap3A_529 = arith.constant 1 : i32
        %swap3A_530 = arith.index_cast %swap3A_529 : i32 to index
        %swap3A_531 = arith.index_cast %scan3A_172 : i32 to index
        %swap3A_532 = arith.constant 432 : index
        %swap3A_533 = tpu.vector_load %arg11[%swap3A_530, %swap3A_531, %swap3A_532] {strides = array<i32>} : memref<2x40x512xf32, #tpu.memory_space<vmem>>, vector<1x1x16xf32>,
        %swap3A_534 = vector.shape_cast %swap3A_533 : vector<1x1x16xf32> to vector<16xf32>
        %swap3A_535 = vector.shape_cast %get3A_528 : vector<16xf32> to vector<1x1x16xf32>
        tpu.vector_store %arg11[%swap3A_530, %swap3A_531, %swap3A_532], %swap3A_535 {add = true, strides = array<i32>} : memref<2x40x512xf32, #tpu.memory_space<vmem>>, vector<1x1x16xf32>,
        %get3A_536 = arith.constant 1 : i32
        %get3A_537 = arith.index_cast %get3A_536 : i32 to index
        %get3A_538 = arith.index_cast %scan3A_172 : i32 to index
        %get3A_539 = arith.constant 448 : index
        %get3A_540 = tpu.vector_load %arg12[%get3A_537, %get3A_538, %get3A_539] {strides = array<i32>} : memref<2x40x512xf32, #tpu.memory_space<vmem>>, vector<1x1x16xf32>,
        %get3A_541 = vector.shape_cast %get3A_540 : vector<1x1x16xf32> to vector<16xf32>
        %swap3A_542 = arith.constant 1 : i32
        %swap3A_543 = arith.index_cast %swap3A_542 : i32 to index
        %swap3A_544 = arith.index_cast %scan3A_172 : i32 to index
        %swap3A_545 = arith.constant 448 : index
        %swap3A_546 = tpu.vector_load %arg11[%swap3A_543, %swap3A_544, %swap3A_545] {strides = array<i32>} : memref<2x40x512xf32, #tpu.memory_space<vmem>>, vector<1x1x16xf32>,
        %swap3A_547 = vector.shape_cast %swap3A_546 : vector<1x1x16xf32> to vector<16xf32>
        %swap3A_548 = vector.shape_cast %get3A_541 : vector<16xf32> to vector<1x1x16xf32>
        tpu.vector_store %arg11[%swap3A_543, %swap3A_544, %swap3A_545], %swap3A_548 {add = true, strides = array<i32>} : memref<2x40x512xf32, #tpu.memory_space<vmem>>, vector<1x1x16xf32>,
        %get3A_549 = arith.constant 1 : i32
        %get3A_550 = arith.index_cast %get3A_549 : i32 to index
        %get3A_551 = arith.index_cast %scan3A_172 : i32 to index
        %get3A_552 = arith.constant 464 : index
        %get3A_553 = tpu.vector_load %arg12[%get3A_550, %get3A_551, %get3A_552] {strides = array<i32>} : memref<2x40x512xf32, #tpu.memory_space<vmem>>, vector<1x1x16xf32>,
        %get3A_554 = vector.shape_cast %get3A_553 : vector<1x1x16xf32> to vector<16xf32>
        %swap3A_555 = arith.constant 1 : i32
        %swap3A_556 = arith.index_cast %swap3A_555 : i32 to index
        %swap3A_557 = arith.index_cast %scan3A_172 : i32 to index
        %swap3A_558 = arith.constant 464 : index
        %swap3A_559 = tpu.vector_load %arg11[%swap3A_556, %swap3A_557, %swap3A_558] {strides = array<i32>} : memref<2x40x512xf32, #tpu.memory_space<vmem>>, vector<1x1x16xf32>,
        %swap3A_560 = vector.shape_cast %swap3A_559 : vector<1x1x16xf32> to vector<16xf32>
        %swap3A_561 = vector.shape_cast %get3A_554 : vector<16xf32> to vector<1x1x16xf32>
        tpu.vector_store %arg11[%swap3A_556, %swap3A_557, %swap3A_558], %swap3A_561 {add = true, strides = array<i32>} : memref<2x40x512xf32, #tpu.memory_space<vmem>>, vector<1x1x16xf32>,
        %get3A_562 = arith.constant 1 : i32
        %get3A_563 = arith.index_cast %get3A_562 : i32 to index
        %get3A_564 = arith.index_cast %scan3A_172 : i32 to index
        %get3A_565 = arith.constant 480 : index
        %get3A_566 = tpu.vector_load %arg12[%get3A_563, %get3A_564, %get3A_565] {strides = array<i32>} : memref<2x40x512xf32, #tpu.memory_space<vmem>>, vector<1x1x16xf32>,
        %get3A_567 = vector.shape_cast %get3A_566 : vector<1x1x16xf32> to vector<16xf32>
        %swap3A_568 = arith.constant 1 : i32
        %swap3A_569 = arith.index_cast %swap3A_568 : i32 to index
        %swap3A_570 = arith.index_cast %scan3A_172 : i32 to index
        %swap3A_571 = arith.constant 480 : index
        %swap3A_572 = tpu.vector_load %arg11[%swap3A_569, %swap3A_570, %swap3A_571] {strides = array<i32>} : memref<2x40x512xf32, #tpu.memory_space<vmem>>, vector<1x1x16xf32>,
        %swap3A_573 = vector.shape_cast %swap3A_572 : vector<1x1x16xf32> to vector<16xf32>
        %swap3A_574 = vector.shape_cast %get3A_567 : vector<16xf32> to vector<1x1x16xf32>
        tpu.vector_store %arg11[%swap3A_569, %swap3A_570, %swap3A_571], %swap3A_574 {add = true, strides = array<i32>} : memref<2x40x512xf32, #tpu.memory_space<vmem>>, vector<1x1x16xf32>,
        %get3A_575 = arith.constant 1 : i32
        %get3A_576 = arith.index_cast %get3A_575 : i32 to index
        %get3A_577 = arith.index_cast %scan3A_172 : i32 to index
        %get3A_578 = arith.constant 496 : index
        %get3A_579 = tpu.vector_load %arg12[%get3A_576, %get3A_577, %get3A_578] {strides = array<i32>} : memref<2x40x512xf32, #tpu.memory_space<vmem>>, vector<1x1x16xf32>,
        %get3A_580 = vector.shape_cast %get3A_579 : vector<1x1x16xf32> to vector<16xf32>
        %swap3A_581 = arith.constant 1 : i32
        %swap3A_582 = arith.index_cast %swap3A_581 : i32 to index
        %swap3A_583 = arith.index_cast %scan3A_172 : i32 to index
        %swap3A_584 = arith.constant 496 : index
        %swap3A_585 = tpu.vector_load %arg11[%swap3A_582, %swap3A_583, %swap3A_584] {strides = array<i32>} : memref<2x40x512xf32, #tpu.memory_space<vmem>>, vector<1x1x16xf32>,
        %swap3A_586 = vector.shape_cast %swap3A_585 : vector<1x1x16xf32> to vector<16xf32>
        %swap3A_587 = vector.shape_cast %get3A_580 : vector<16xf32> to vector<1x1x16xf32>
        tpu.vector_store %arg11[%swap3A_582, %swap3A_583, %swap3A_584], %swap3A_587 {add = true, strides = array<i32>} : memref<2x40x512xf32, #tpu.memory_space<vmem>>, vector<1x1x16xf32>,
        %scan3A_588 = arith.constant 0 : i32
        scf.yield %scan3A_588 : i32
      }
      %scan3A_157 = arith.constant 40 : i32
      %add3A_158 = arith.constant 1 : i32
      %add3A_159 = arith.addi %mul3A_54, %add3A_158 : i32
      %dma_start3A_160 = arith.constant 1 : i32
      %dma_start3A_161 = arith.constant 0 : i32
      %dma_start3A_162 = arith.constant 0 : i32
      %dma_start3A_163 = tpu.memref_slice %arg11[%dma_start3A_160, %dma_start3A_161, %dma_start3A_162] : memref<2x40x512xf32, #tpu.memory_space<vmem>> -> memref<1x40x512xf32, #tpu.memory_space<vmem>>
      %dma_start3A_164 = tpu.memref_squeeze %dma_start3A_163 : memref<1x40x512xf32, #tpu.memory_space<vmem>> -> memref<40x512xf32, #tpu.memory_space<vmem>>
      %dma_start3A_165 = arith.constant 0 : i32
      %dma_start3A_166 = tpu.memref_slice %arg10[%add3A_159, %dma_start3A_165] : memref<40x40xi32, #tpu.memory_space<vmem>> -> memref<1x40xi32, #tpu.memory_space<vmem>>
      %dma_start3A_167 = tpu.memref_squeeze %dma_start3A_166 : memref<1x40xi32, #tpu.memory_space<vmem>> -> memref<40xi32, #tpu.memory_space<vmem>>
      %dma_start3A_168 = arith.constant 0 : i32
      %dma_start3A_169 = arith.constant 0 : i32
      %dma_start3A_170 = tpu.memref_slice %arg7[%dma_start3A_168, %dma_start3A_169] : memref<51200x512xf32, #tpu.memory_space<hbm>> -> memref<51200x512xf32, #tpu.memory_space<hbm>>
      tpu.enqueue_indirect_dma source(%dma_start3A_164 : memref<40x512xf32, #tpu.memory_space<vmem>>) target(%dma_start3A_170 : memref<51200x512xf32, #tpu.memory_space<hbm>>) offsets(%dma_start3A_167 : memref<40xi32, #tpu.memory_space<vmem>>) semaphore(%arg18 : memref<!tpu.dma_semaphore, #tpu.memory_space<semaphore_mem>>)
      %scan3A_171 = arith.constant 0 : i32
      scf.yield %scan3A_171 : i32
    }
    %scan3A_27 = arith.constant 20 : i32
    %dma_wait3A = arith.constant 0 : i32
    %dma_wait3A_28 = arith.constant 38 : i32
    %dma_wait3A_29 = arith.constant 0 : i32
    %dma_wait3A_30 = arith.constant 0 : i32
    %dma_wait3A_31 = tpu.memref_slice %arg11[%dma_wait3A, %dma_wait3A_29, %dma_wait3A_30] : memref<2x40x512xf32, #tpu.memory_space<vmem>> -> memref<1x40x512xf32, #tpu.memory_space<vmem>>
    %dma_wait3A_32 = tpu.memref_squeeze %dma_wait3A_31 : memref<1x40x512xf32, #tpu.memory_space<vmem>> -> memref<40x512xf32, #tpu.memory_space<vmem>>
    %dma_wait3A_33 = arith.constant 0 : i32
    %dma_wait3A_34 = tpu.memref_slice %arg10[%dma_wait3A_28, %dma_wait3A_33] : memref<40x40xi32, #tpu.memory_space<vmem>> -> memref<1x40xi32, #tpu.memory_space<vmem>>
    %dma_wait3A_35 = tpu.memref_squeeze %dma_wait3A_34 : memref<1x40xi32, #tpu.memory_space<vmem>> -> memref<40xi32, #tpu.memory_space<vmem>>
    %dma_wait3A_36 = arith.constant 0 : i32
    %dma_wait3A_37 = arith.constant 0 : i32
    %dma_wait3A_38 = tpu.memref_slice %arg7[%dma_wait3A_36, %dma_wait3A_37] : memref<51200x512xf32, #tpu.memory_space<hbm>> -> memref<51200x512xf32, #tpu.memory_space<hbm>>
    tpu.wait_indirect_dma semaphore(%arg17 : memref<!tpu.dma_semaphore, #tpu.memory_space<semaphore_mem>>) src(%dma_wait3A_32 : memref<40x512xf32, #tpu.memory_space<vmem>>) dst(%dma_wait3A_38 : memref<51200x512xf32, #tpu.memory_space<hbm>>)
    %dma_wait3A_39 = arith.constant 1 : i32
    %dma_wait3A_40 = arith.constant 39 : i32
    %dma_wait3A_41 = arith.constant 0 : i32
    %dma_wait3A_42 = arith.constant 0 : i32
    %dma_wait3A_43 = tpu.memref_slice %arg11[%dma_wait3A_39, %dma_wait3A_41, %dma_wait3A_42] : memref<2x40x512xf32, #tpu.memory_space<vmem>> -> memref<1x40x512xf32, #tpu.memory_space<vmem>>
    %dma_wait3A_44 = tpu.memref_squeeze %dma_wait3A_43 : memref<1x40x512xf32, #tpu.memory_space<vmem>> -> memref<40x512xf32, #tpu.memory_space<vmem>>
    %dma_wait3A_45 = arith.constant 0 : i32
    %dma_wait3A_46 = tpu.memref_slice %arg10[%dma_wait3A_40, %dma_wait3A_45] : memref<40x40xi32, #tpu.memory_space<vmem>> -> memref<1x40xi32, #tpu.memory_space<vmem>>
    %dma_wait3A_47 = tpu.memref_squeeze %dma_wait3A_46 : memref<1x40xi32, #tpu.memory_space<vmem>> -> memref<40xi32, #tpu.memory_space<vmem>>
    %dma_wait3A_48 = arith.constant 0 : i32
    %dma_wait3A_49 = arith.constant 0 : i32
    %dma_wait3A_50 = tpu.memref_slice %arg7[%dma_wait3A_48, %dma_wait3A_49] : memref<51200x512xf32, #tpu.memory_space<hbm>> -> memref<51200x512xf32, #tpu.memory_space<hbm>>
    tpu.wait_indirect_dma semaphore(%arg18 : memref<!tpu.dma_semaphore, #tpu.memory_space<semaphore_mem>>) src(%dma_wait3A_44 : memref<40x512xf32, #tpu.memory_space<vmem>>) dst(%dma_wait3A_50 : memref<51200x512xf32, #tpu.memory_space<hbm>>)
    return
  }
}

module attributes {stable_mosaic.version = 14 : i64} {
  func.func @_prep_body(%arg0: memref<1024x50xi32, #tpu.memory_space<vmem>>, %arg1: memref<2x512xf32, #tpu.memory_space<vmem>>, %arg2: memref<50x512xf32, #tpu.memory_space<vmem>>, %arg3: memref<100x512xf32, #tpu.memory_space<vmem>>, %arg4: memref<1024x50xi32, #tpu.memory_space<vmem>>, %arg5: memref<1024x50xi32, #tpu.memory_space<vmem>>) attributes {dimension_semantics = [], scalar_prefetch = 0 : i64, scratch_operands = 0 : i64, tpu.core_type = #tpu.core_type<tc>} {
    %get3A = arith.constant 0 : index
    %get3A_0 = arith.constant 0 : index
    %get3A_1 = vector.load %arg2[%get3A, %get3A_0] : memref<50x512xf32, #tpu.memory_space<vmem>>, vector<50x512xf32>
    %get3A_2 = arith.constant 0 : index
    %get3A_3 = arith.constant 0 : index
    %get3A_4 = vector.load %arg1[%get3A_2, %get3A_3] : memref<2x512xf32, #tpu.memory_space<vmem>>, vector<1x512xf32>
    %add3A = vector.broadcast %get3A_4 : vector<1x512xf32> to vector<50x512xf32>
    %add3A_5 = arith.addf %get3A_1, %add3A : vector<50x512xf32>
    %swap3A = arith.constant 0 : index
    %swap3A_6 = arith.constant 0 : index
    %swap3A_7 = vector.load %arg3[%swap3A, %swap3A_6] : memref<100x512xf32, #tpu.memory_space<vmem>>, vector<50x512xf32>
    tpu.vector_store %arg3[%swap3A, %swap3A_6], %add3A_5 {strides = array<i32>} : memref<100x512xf32, #tpu.memory_space<vmem>>, vector<50x512xf32>,
    %get3A_8 = arith.constant 1 : index
    %get3A_9 = arith.constant 0 : index
    %get3A_10 = vector.load %arg1[%get3A_8, %get3A_9] : memref<2x512xf32, #tpu.memory_space<vmem>>, vector<1x512xf32>
    %add3A_11 = vector.broadcast %get3A_10 : vector<1x512xf32> to vector<50x512xf32>
    %add3A_12 = arith.addf %get3A_1, %add3A_11 : vector<50x512xf32>
    %swap3A_13 = arith.constant 50 : index
    %swap3A_14 = arith.constant 0 : index
    %swap3A_15 = vector.load %arg3[%swap3A_13, %swap3A_14] : memref<100x512xf32, #tpu.memory_space<vmem>>, vector<50x512xf32>
    tpu.vector_store %arg3[%swap3A_13, %swap3A_14], %add3A_12 {strides = array<i32>} : memref<100x512xf32, #tpu.memory_space<vmem>>, vector<50x512xf32>,
    %iota3A = tpu.iota {dimensions = array<i32: 1>} : vector<1024x50xi32>
    %iota3A_16 = tpu.iota {dimensions = array<i32: 0>} : vector<1024x50xi32>
    %get3A_17 = arith.constant 0 : index
    %get3A_18 = arith.constant 0 : index
    %get3A_19 = vector.load %arg0[%get3A_17, %get3A_18] : memref<1024x50xi32, #tpu.memory_space<vmem>>, vector<1024x50xi32>
    %mul3A = arith.constant 50 : i32
    %mul3A_20 = vector.broadcast %mul3A : i32 to vector<1024x50xi32>
    %mul3A_21 = arith.muli %get3A_19, %mul3A_20 : vector<1024x50xi32>
    %add3A_22 = arith.addi %mul3A_21, %iota3A : vector<1024x50xi32>
    %swap3A_23 = arith.constant 0 : index
    %swap3A_24 = arith.constant 0 : index
    %swap3A_25 = vector.load %arg4[%swap3A_23, %swap3A_24] : memref<1024x50xi32, #tpu.memory_space<vmem>>, vector<1024x50xi32>
    tpu.vector_store %arg4[%swap3A_23, %swap3A_24], %add3A_22 {strides = array<i32>} : memref<1024x50xi32, #tpu.memory_space<vmem>>, vector<1024x50xi32>,
    %mul3A_26 = arith.constant 1024 : i32
    %mul3A_27 = vector.broadcast %mul3A_26 : i32 to vector<1024x50xi32>
    %mul3A_28 = arith.muli %iota3A, %mul3A_27 : vector<1024x50xi32>
    %add3A_29 = arith.addi %mul3A_28, %iota3A_16 : vector<1024x50xi32>
    %swap3A_30 = arith.constant 0 : index
    %swap3A_31 = arith.constant 0 : index
    %swap3A_32 = vector.load %arg5[%swap3A_30, %swap3A_31] : memref<1024x50xi32, #tpu.memory_space<vmem>>, vector<1024x50xi32>
    tpu.vector_store %arg5[%swap3A_30, %swap3A_31], %add3A_29 {strides = array<i32>} : memref<1024x50xi32, #tpu.memory_space<vmem>>, vector<1024x50xi32>,
    return
  }
}

</mosaic_0001>

<sc_bundles>
// kernel: kernel.4.cloned.1.call-start
scs
__scs_entry_jumppad:
0x0: {  	(pc) =	sbr.rel $0x88, $3  }
0x1: {  	(tag) =	ssettag $0x0;
	lr =	simm.s32 $0x1  }
0x2: {  	[smem:$0x3F9C] =	sst lr;
	_ =	strace $0xD0000000  }
0x3: {  	_ = 	snop  }
0x4: {  	_ = 	snop  }
0x5: {  	_ = 	snop  }
0x6: {  	_ = 	snop  }
0x7: {  	_ = 	snop  }
__scs_overlays_trampoline_lowered:
0x8: {  	[smem:$0x3FAB] =	sst s0  }
0x9: {  	[smem:$0x3FAC] =	sst s1  }
0xa: {  	[smem:$0x3FAD] =	sst s2  }
0xb: {  	[smem:$0x3FAE] =	sst s3  }
0xc: {  	[smem:$0x3FAF] =	sst s4  }
0xd: {  	[smem:$0x3FB0] =	sst s5  }
0xe: {  	[smem:$0x3FB1] =	sst s6  }
0xf: {  	[smem:$0x3FB2] =	sst s7  }
0x10: {  	[smem:$0x3FB3] =	sst s8  }
0x11: {  	[smem:$0x3FB4] =	sst s9;
	s0 =	simm.s32 @!p0 $0x0  }
0x12: {  	s1 =	sld [smem:$0x3F9A];
	s0 =	simm.s32 @p0 $0x1  }
0x13: {  	[smem:$0x3FB5] =	sst s0;
	s0 =	simm.s32 @!p1 $0x0  }
0x14: {  	s2 =	sld [smem:$0x3F99];
	s0 =	simm.s32 @p1 $0x1  }
0x15: {  	[smem:$0x3FB6] =	sst s0;
	s0 =	simm.s32 @!p2 $0x0  }
0x16: {  	s3 =	sld [smem:$0x3FDB];
	s0 =	simm.s32 @p2 $0x1  }
0x17: {  	s4 =	simm.s32 $0x1BF5;
	[smem:$0x3FB8] =	sst s0  }
0x18: {  	s0 =	sld [smem:$0x3F9B];
	_ =	swait.ge [sflag:s4], $0x0  }
0x19: {  	s7 =	sld [smem:$0x3F9C]  }
0x1a: {  	s8 =	sadd.s32 $0xFFFFE003, lr  }
0x1b: {  	s9 =	sadd.s32 $0xFFFFFEF7, lr;
	s5 =	simm.s32 $0xFFFFFFFF;
	p2 =	slt.u32 s8, $0xFFFFF086  }
0x1c: {  	p1 =	slt.u32 s9, $0xF7A;
	s5 =	simm.s32 @!p2 $0x0  }
0x1d: {  	s5 =	simm.s32 @p1 $0x1;
	p0 =	seq.s32 s7, s2  }
0x1e: {  	s7 =	smul.u32 @!p0 $0xF7A, s2;
	p2 =	seq.s32 @!p0 s5, $0x0  }
0x1f: {  	s9 =	smul.u32 $0xF7A, s1;
	s8 =	simm.s32 @!p0 $0x1BF5;
	p2 =	por !p2, p0  }
0x20: {  	[sflag:s8] =	ssyncset.s32 @!p0 $0xFFFFF086;
	s6 =	sadd.s32 @!p0 s3, s7;
	s7 =	simm.s32 @!p0 $0x108  }
0x21: {  	s3 =	sadd.s32 s3, s9;
	s6 =	sadd.s32 @!p0 $0x88, s6;
	s7 =	simm.s32 @p2 $0x1082  }
0x22: {  	[simem:s7], [sflag:s8] =	dma.local @!p0 [hbm:s6], $0xF7A  }
0x23: {  	s9 =	sor.u32 $0xD0000000, s2;
	s6 =	simm.s32 $0x108;
	_ =	swait.ge @!p0 [sflag:s8], $0x0  }
0x24: {  	s3 =	sadd.s32 $0x88, s3;
	s6 =	simm.s32 @!p1 $0x1082;
	[sflag:s4] =	ssyncset.s32 $0xFFFFF086  }
0x25: {  	[simem:s6], [sflag:s4] =	dma.local [hbm:s3], $0xF7A  }
0x26: {  	[smem:$0x3F9C] =	sst s1;
	(tag) =	ssettag s2;
	_ =	strace s9  }
0x27: {  	s1 =	sld [smem:$0x3FAC]  }
0x28: {  	s2 =	sld [smem:$0x3FAD]  }
0x29: {  	s4 =	sld [smem:$0x3FAF]  }
0x2a: {  	p0 =	seq.s32 s5, $0x0;
	s5 =	sld [smem:$0x3FB0]  }
0x2b: {  	s6 =	sld [smem:$0x3FB1]  }
0x2c: {  	s7 =	sld [smem:$0x3FB2]  }
0x2d: {  	s3 =	simm.s32 $0x108;
	s8 =	sld [smem:$0x3FB3]  }
0x2e: {  	s3 =	simm.s32 @!p0 $0x1082;
	s9 =	sld [smem:$0x3FB4]  }
0x2f: {  	lr =	sadd.s32 s0, s3;
	s0 =	sld [smem:$0x3FAB]  }
0x30: {  	s3 =	sld [smem:$0x3FAE]  }
0x31: {  	[smem:$0x3FB7] =	sst s10  }
0x32: {  	s10 =	sld [smem:$0x3FB5];
	_ =	sdelay $0x3  }
0x33: {  	p0 =	seq.s32 s10, $0x1;
	s10 =	sld [smem:$0x3FB7];
	_ =	sdelay $0x3  }
0x34: {  	[smem:$0x3FB7] =	sst s10  }
0x35: {  	s10 =	sld [smem:$0x3FB6];
	_ =	sdelay $0x3  }
0x36: {  	p1 =	seq.s32 s10, $0x1;
	s10 =	sld [smem:$0x3FB7];
	_ =	sdelay $0x3  }
0x37: {  	[smem:$0x3FB7] =	sst s10  }
0x38: {  	s10 =	sld [smem:$0x3FB8]  }
0x39: {  	_ = 	snop;
	(pc) =	sbr.ind lr, $3  }
0x3a: {  	_ = 	snop  }
0x3b: {  	_ = 	snop  }
0x3c: {  	p2 =	seq.s32 s10, $0x1;
	s10 =	sld [smem:$0x3FB7]  }
0x3d: {  	_ =	shalt  }
0x3e: {  	_ =	shalt  }
0x3f: {  	_ =	shalt  }
0x40: {  	_ =	shalt  }
0x41: {  	_ =	shalt  }
0x42: {  	_ =	shalt  }
0x43: {  	_ =	shalt  }
0x44: {  	_ =	shalt  }
0x45: {  	_ =	shalt  }
0x46: {  	_ =	shalt  }
0x47: {  	_ =	shalt  }
0x48: {  	_ =	shalt  }
0x49: {  	_ =	shalt  }
0x4a: {  	_ =	shalt  }
0x4b: {  	_ =	shalt  }
0x4c: {  	_ =	shalt  }
0x4d: {  	_ =	shalt  }
0x4e: {  	_ =	shalt  }
0x4f: {  	_ =	shalt  }
0x50: {  	_ =	shalt  }
0x51: {  	_ =	shalt  }
0x52: {  	_ =	shalt  }
0x53: {  	_ =	shalt  }
0x54: {  	_ =	shalt  }
0x55: {  	_ =	shalt  }
0x56: {  	_ =	shalt  }
0x57: {  	_ =	shalt  }
0x58: {  	_ =	shalt  }
0x59: {  	_ =	shalt  }
0x5a: {  	_ =	shalt  }
0x5b: {  	_ =	shalt  }
0x5c: {  	_ =	shalt  }
0x5d: {  	_ =	shalt  }
0x5e: {  	_ =	shalt  }
0x5f: {  	_ =	shalt  }
0x60: {  	_ =	shalt  }
0x61: {  	_ =	shalt  }
0x62: {  	_ =	shalt  }
0x63: {  	_ =	shalt  }
0x64: {  	_ =	shalt  }
0x65: {  	_ =	shalt  }
0x66: {  	_ =	shalt  }
0x67: {  	_ =	shalt  }
0x68: {  	_ =	shalt  }
0x69: {  	_ =	shalt  }
0x6a: {  	_ =	shalt  }
0x6b: {  	_ =	shalt  }
0x6c: {  	_ =	shalt  }
0x6d: {  	_ =	shalt  }
0x6e: {  	_ =	shalt  }
0x6f: {  	_ =	shalt  }
0x70: {  	_ =	shalt  }
0x71: {  	_ =	shalt  }
0x72: {  	_ =	shalt  }
0x73: {  	_ =	shalt  }
0x74: {  	_ =	shalt  }
0x75: {  	_ =	shalt  }
0x76: {  	_ =	shalt  }
0x77: {  	_ =	shalt  }
0x78: {  	_ =	shalt  }
0x79: {  	_ =	shalt  }
0x7a: {  	_ =	shalt  }
0x7b: {  	_ =	shalt  }
0x7c: {  	_ =	shalt  }
0x7d: {  	_ =	shalt  }
0x7e: {  	_ =	shalt  }
0x7f: {  	_ =	shalt  }
0x80: {  	_ =	shalt  }
0x81: {  	_ =	shalt  }
0x82: {  	_ =	shalt  }
0x83: {  	_ =	shalt  }
0x84: {  	_ =	shalt  }
0x85: {  	_ =	shalt  }
0x86: {  	_ =	shalt  }
0x87: {  	_ =	shalt  }
.Lfunc_end0:
.L_simem_size_0:
called_computation_lowered:
.L_overlay_start_0:
0x88: {  	s2 =	sld [smem:$0x3FD9]  }
0x89: {  	s3 =	sld [smem:$0x3FFE];
	_ =	sdelay $0x1  }
0x8a: {  	s1 =	srdreg.scid  }
0x8b: {  	s0 =	sand.u32 $0x1, s1  }
0x8c: {  	s17 =	sshll.u32 s0, $0xA;
	s2 =	sadd.s32 s3, s2  }
0x8d: {  	s2 =	sadd.s32 s2, s17  }
0x8e: {  	[smem:$0x3FC3] =	sst s2  }
0x8f: {  	_ = 	snop  }
0x90: {  	s2 =	sld [smem:$0x3FC7]  }
0x91: {  	s18 =	sld [smem:$0x3FD0];
	(tm) =	ssettm $0x1  }
0x92: {  	s4 =	sld [smem:$0x3FFB];
	_ =	sdelay $0x3  }
0x93: {  	_ =	strace s4  }
0x94: {  	s4 =	sld [smem:$0x3FFC];
	_ =	sdelay $0x3  }
0x95: {  	_ =	strace s4  }
0x96: {  	s4 =	sld [smem:$0x3FFD];
	_ =	sdelay $0x3  }
0x97: {  	_ =	strace s4  }
0x98: {  	_ =	strace $0x8FFFFFFF  }
0x99: {  	s19 =	sld [smem:$0x3FDB];
	_ =	sdelay $0x1  }
0x9a: {  	s5 =	simm.s32 $_scs_section_size  }
0x9b: {  	s6 =	simm.s32 $_size__tile_overlayer_lowered;
	s7 =	simm.s32 $_tile_overlayer_lowered  }
0x9c: {  	s22 =	simm.s32 $0x1BFF;
	s21 =	sshll.u32 s7, $0x1;
	s4 =	sadd.s32 s5, s19  }
0x9d: {  	s8 =	simm.s32 $0x0;
	s20 =	sshll.u32 s6, $0x1;
	s6 =	sadd.s32 s21, s4  }
0x9e: {  	[timem:s8], [sflag:s22] =	dma.local [hbm:s6], s20  }
0x9f: {  	_ =	swait.ge [sflag:s22], s20  }
0xa0: {  	s5 =	ssub.s32 $0x0, s20;
	[sflag:s22] =	ssyncset.done $0x0  }
0xa1: {  	[sflag:s22] =	ssyncadd.s32 s5;
	_ =	sdelay $0x1  }
0xa2: {  	s23 =	simm.s32 $0x1B8B  }
0xa3: {  	_ =	swait.ge [sflag:s23], $0x1  }
0xa4: {  	[sflag:s23] =	ssyncset.done $0x0  }
0xa5: {  	s25 =	simm.s32 $0x1B8E;
	s24 =	sld [smem:$0x3FFE];
	[sflag:s23] =	ssyncadd.s32 $0xFFFFFFFF  }
0xa6: {  	s26 =	simm.s32 $execute0_lowered;
	[smem:$0x3FD2] =	sst s25  }
0xa7: {  	s6 =	sshll.u32 s26, $0x1;
	_ =	strace $0x80000046;
	[dreg:$0x1] =	wrdreg $0xFFFFFFFF  }
0xa8: {  	s28 =	simm.s32 $_size_execute0_lowered;
	s4 =	sadd.s32 s4, s6;
	[dreg:$0x0] =	wrdreg $0x0  }
0xa9: {  	s6 =	sshll.u32 s28, $0x1;
	[dreg:$0x2] =	wrdreg s4  }
0xaa: {  	[dreg:$0x3] =	wrdreg s6  }
0xab: {  	[dreg:$0x4] =	wrdreg $0xC0  }
0xac: {  	_ =	task [dreg:s8], $0x5FFFF  }
0xad: {  	[dreg:$0x1] =	wrdreg $0xFFFFFFFF  }
0xae: {  	[dreg:$0x0] =	wrdreg $0x60  }
0xaf: {  	[dreg:$0x2] =	wrdreg s24  }
0xb0: {  	[dreg:$0x3] =	wrdreg s2  }
0xb1: {  	[dreg:$0x4] =	wrdreg s18  }
0xb2: {  	[dreg:$0x5] =	wrdreg $0x9  }
0xb3: {  	_ =	task.clear_ibuf [dreg:s8], $0x6FFFF;
	_ =	strace $0x90000046  }
0xb4: {  	s29 =	simm.s32 $0x9;
	_ =	strace $0x80000048  }
0xb5: {  	_ =	swait.ge [sflag:s29], $0x1  }
0xb6: {  	[sflag:s29] =	ssyncadd.s32 $0xFFFFFFFF  }
0xb7: {  	_ =	strace $0x90000048  }
0xb8: {  	_ =	sfence  }
0xb9: {  	s30 =	sld [smem:$0x0];
	_ =	sdelay $0x2  }
0xba: {  	s31 =	sshll.u32 s1, $0xD;
	s1 =	sshrl.u32 s1, $0x2  }
0xbb: {  	s3 =	sand.u32 $0x4000, s31;
	s1 =	sadd.s32 s1, s30  }
0xbc: {  	s0 =	sor.u32 s3, s0;
	s1 =	sshll.u32 s1, $0x11  }
0xbd: {  	s0 =	sor.u32 s1, s0  }
0xbe: {  	s0 =	sadd.s32 $0x8F2B, s0  }
0xbf: {  	[sflag:s0] =	ssyncadd.remote.s32 $0x1  }
0xc0: {  	_ =	sfence.sel $0xFFFF  }
0xc1: {  	[dreg:$0x0] =	wrdreg $0xFFFFFFFF;
	(pc) =	sbr.abs _section_cstart, $3  }
0xc2: {  	[dreg:$0x1] =	wrdreg $0xFFFFFFFF  }
0xc3: {  	_ =	task.clear_ibuf [dreg:s8], $0x2FFFF;
	_ =	strace $0x9FFFFFFF  }
0xc4: {  	(tm) =	ssettm $0x7FFFFFFF  }
0xc5: {  	_ =	shalt  }
tec
execute0_lowered:
.L_overlay_start_1:
0x0: {  	(tag) =	ssettag $0x1  }
0x1: {  	s0 =	rddreg [dreg:$0x0]  }
0x2: {  	s1 =	srdreg.scid;
	s3 =	stileid.u32  }
0x3: {  	s2 =	rddreg [dreg:$0x1];
	s12 =	simm.s32 $0x8100;
	s13 =	simm.s32 $0x8900  }
0x4: {  	s28 =	simm.s32 $0x9900;
	s29 =	simm.s32 $0xA100;
	s30 =	simm.s32 $0xA900  }
0x5: {  	s31 =	simm.s32 $0xB100;
	s15 =	simm.s32 $0x1;
	s14 =	simm.s32 $0x4  }
0x6: {  	s16 =	simm.s32 $0x5;
	s19 =	simm.s32 $0x0;
	s1 =	sand.u32 $0x1, s1  }
0x7: {  	s4 =	sshll.u32 s3, $0x1;
	s3 =	rddreg [dreg:$0x2];
	s9 =	sadd.s32 $0x100, s2  }
0x8: {  	s10 =	sadd.s32 $0x2300, s0;
	s5 =	sor.u32 s1, s4;
	s4 =	simm.s32 $0x0  }
0x9: {  	s1 =	ssub.s32 $0x2, s1;
	s11 =	sadd.s32 $0x100, s3;
	s6 =	smul.u32 $0xC8, s5  }
0xa: {  	[smem:$0x7FF] =	sst s4;
	s5 =	smul.u32 $0x280, s5;
	s7 =	sshrl.u32 s1, $0x1  }
0xb: {  	_ =	strace $0x80000047;
	s1 =	ssub.s32 s1, s7;
	s7 =	simm.s32 $0x7100  }
0xc: {  	s6 =	sadd.s32 s6, s0;
	s8 =	sadd.s32 s5, s0;
	s26 =	smax.u32 s1, $0x1  }
0xd: {  	s5 =	sadd.s32 $0x2200, s0;
	s24 =	sadd.s32 $0x800, s6;
	[dreg:$0x7] =	wrdreg s26  }
0xe: {  	s1 =	simm.s32 $0xB900;
	s6 =	sadd.s32 $0x3C00, s6;
	[dreg:$0x4] =	wrdreg s24  }
0xf: {  	v2 =	vlaneseq.u32;
	s0 =	simm.s32 $0x2;
	s25 =	sadd.s32 $0x5600, s8;
	[dreg:$0x5] =	wrdreg s6  }
0x10: {  	vm0 =	vmmov $0xffff;
	v1 =	vshrl.u32 v2, $0x3;
	s8 =	simm.s32 $0x7900;
	s26 =	simm.s32 $0x9100;
	[dreg:$0x6] =	wrdreg s25  }
0x11: {  	v0 =	vand.u32 $0x7, v2;
	v2 =	vor.u32 $0x8, v2;
	v1 =	vmul.u32 $0x8, v1;
	s24 =	simm.s32 $0x6100;
	s25 =	simm.s32 $0x6900;
	s6 =	simm.s32 $0x3  }
.LBB2_1:
0x12: {  	[dreg:$0x8] =	wrdreg s19  }
0x13: {  	s17 =	rddreg [dreg:$0x4];
	s18 =	simm.s32 $0x7  }
0x14: {  	[tilespmem:s4], [sflag:$0x7] =	stream.linear.gather [hbm4b:s17+s4], $0x640, $0x38;
	[tilespmem:$0x16100] =	vst v63  }
0x15: {  	_ =	swait.ge [sflag:s18], $0x640  }
0x16: {  	[sflag:s18] =	ssyncset.done $0x0  }
0x17: {  	s21 =	simm.s32 $0x680;
	s20 =	rddreg [dreg:$0x5];
	[sflag:s18] =	ssyncadd.s32 $0xFFFFF9C0  }
0x18: {  	[tilespmem:s21], [sflag:$0x7] =	stream.linear.gather [hbm4b:s20+s4], $0x640, $0x38;
	[tilespmem:$0x16100] =	vst v63  }
0x19: {  	_ =	swait.ge [sflag:s18], $0x640  }
0x1a: {  	[sflag:s18] =	ssyncset.done $0x0  }
0x1b: {  	s23 =	simm.s32 $0xD00;
	s22 =	rddreg [dreg:$0x6];
	[sflag:s18] =	ssyncadd.s32 $0xFFFFF9C0  }
0x1c: {  	[tilespmem:s23], [sflag:$0x7] =	stream.linear.gather [hbm4b:s22+s4], $0x1400, $0x38;
	[tilespmem:$0x16100] =	vst v63  }
0x1d: {  	_ =	swait.ge [sflag:s18], $0x1400  }
0x1e: {  	[sflag:s18] =	ssyncset.done $0x0  }
0x1f: {  	[sflag:s18] =	ssyncadd.s32 $0xFFFFEC00  }
0x20: {  	v3 =	vld [tilespmem:$0x0];
	_ =	sdelay $0x4  }
0x21: {  	v4 =	vshll.u32 v3, $0x2  }
0x22: {  	v3 =	vand.u32 $0x7, v3;
	v4 =	vand.u32 $0xFFFFFFE0, v4  }
0x23: {  	v3 =	vor.u32 v3, v4  }
0x24: {  	v4 =	vperm.xlane v3, v0;
	_ =	sdelay $0x1  }
0x25: {  	v4 =	vadd.s32 v1, v4;
	_ =	sdelay $0x1  }
0x26: {  	v3 =	vperm.xlane v3, v2;
	_ =	sdelay $0x1  }
0x27: {  	s18 =	simm.s32 $0x2100;
	v3 =	vadd.s32 v1, v3  }
0x28: {  	[tilespmem:s18], [sflag:$0x1] =	stream.indirect_vreg.gather [hbm4b:s2+s4], $0x80, v4, vm0, $0xb8;
	[tilespmem:$0x16100] =	vst v63  }
0x29: {  	s19 =	simm.s32 $0x2900  }
0x2a: {  	[tilespmem:s19], [sflag:$0x1] =	stream.indirect_vreg.gather [hbm4b:s9+s4], $0x80, v4, vm0, $0xb8;
	[tilespmem:$0x16100] =	vst v63  }
0x2b: {  	s20 =	simm.s32 $0x3100  }
0x2c: {  	[tilespmem:s20], [sflag:$0x1] =	stream.indirect_vreg.gather [hbm4b:s2+s4], $0x80, v3, vm0, $0xb8;
	[tilespmem:$0x16100] =	vst v63  }
0x2d: {  	s21 =	simm.s32 $0x3900  }
0x2e: {  	[tilespmem:s21], [sflag:$0x1] =	stream.indirect_vreg.gather [hbm4b:s9+s4], $0x80, v3, vm0, $0xb8;
	[tilespmem:$0x16100] =	vst v63  }
0x2f: {  	v3 =	vld [tilespmem:$0x10];
	_ =	sdelay $0x4  }
0x30: {  	v59 =	vshll.u32 v3, $0x2  }
0x31: {  	v3 =	vand.u32 $0x7, v3;
	v4 =	vand.u32 $0xFFFFFFE0, v59  }
0x32: {  	v3 =	vor.u32 v3, v4  }
0x33: {  	v4 =	vperm.xlane v3, v0;
	_ =	sdelay $0x1  }
0x34: {  	v4 =	vadd.s32 v1, v4;
	_ =	sdelay $0x1  }
0x35: {  	v3 =	vperm.xlane v3, v2;
	_ =	sdelay $0x1  }
0x36: {  	s22 =	simm.s32 $0x4100;
	v3 =	vadd.s32 v1, v3  }
0x37: {  	[tilespmem:s22], [sflag:$0x1] =	stream.indirect_vreg.gather [hbm4b:s2+s4], $0x80, v4, vm0, $0xb8;
	[tilespmem:$0x16100] =	vst v63  }
0x38: {  	s23 =	simm.s32 $0x4900  }
0x39: {  	[tilespmem:s23], [sflag:$0x1] =	stream.indirect_vreg.gather [hbm4b:s9+s4], $0x80, v4, vm0, $0xb8;
	[tilespmem:$0x16100] =	vst v63  }
0x3a: {  	s18 =	simm.s32 $0x5100  }
0x3b: {  	[tilespmem:s18], [sflag:$0x1] =	stream.indirect_vreg.gather [hbm4b:s2+s4], $0x80, v3, vm0, $0xb8;
	[tilespmem:$0x16100] =	vst v63  }
0x3c: {  	s19 =	simm.s32 $0x5900  }
0x3d: {  	[tilespmem:s19], [sflag:$0x1] =	stream.indirect_vreg.gather [hbm4b:s9+s4], $0x80, v3, vm0, $0xb8;
	[tilespmem:$0x16100] =	vst v63  }
0x3e: {  	v3 =	vld.msk [tilespmem:$0x20], $0xff;
	_ =	sdelay $0x4  }
0x3f: {  	v60 =	vshll.u32 v3, $0x2  }
0x40: {  	v3 =	vand.u32 $0x7, v3;
	v4 =	vand.u32 $0xFFFFFFE0, v60  }
0x41: {  	v3 =	vor.u32 v3, v4  }
0x42: {  	v3 =	vperm.xlane v3, v0;
	_ =	sdelay $0x1  }
0x43: {  	v3 =	vadd.s32 v1, v3;
	_ =	sdelay $0x4  }
0x44: {  	[tilespmem:s24], [sflag:$0x1] =	stream.indirect_vreg.gather [hbm4b:s2+s4], $0x80, v3, vm0, $0xb8;
	[tilespmem:$0x16100] =	vst v63  }
0x45: {  	_ = 	snop  }
0x46: {  	[tilespmem:s25], [sflag:$0x1] =	stream.indirect_vreg.gather [hbm4b:s9+s4], $0x80, v3, vm0, $0xb8;
	[tilespmem:$0x16100] =	vst v63  }
0x47: {  	v3 =	vld [tilespmem:$0x680];
	_ =	sdelay $0x4  }
0x48: {  	v61 =	vshll.u32 v3, $0x2  }
0x49: {  	v3 =	vand.u32 $0x7, v3;
	v4 =	vand.u32 $0xFFFFFFE0, v61  }
0x4a: {  	v3 =	vor.u32 v3, v4  }
0x4b: {  	v4 =	vperm.xlane v3, v0;
	_ =	sdelay $0x1  }
0x4c: {  	v4 =	vadd.s32 v1, v4;
	_ =	sdelay $0x1  }
0x4d: {  	v3 =	vperm.xlane v3, v2;
	_ =	sdelay $0x1  }
0x4e: {  	s20 =	simm.s32 $0xC100;
	v3 =	vadd.s32 v1, v3  }
0x4f: {  	[tilespmem:s20], [sflag:$0x3] =	stream.indirect_vreg.gather [hbm4b:s5+s4], $0x80, v4, vm0, $0xb8;
	[tilespmem:$0x16100] =	vst v63  }
0x50: {  	s21 =	simm.s32 $0xC900  }
0x51: {  	[tilespmem:s21], [sflag:$0x3] =	stream.indirect_vreg.gather [hbm4b:s10+s4], $0x80, v4, vm0, $0xb8;
	[tilespmem:$0x16100] =	vst v63  }
0x52: {  	s22 =	simm.s32 $0xD100  }
0x53: {  	[tilespmem:s22], [sflag:$0x3] =	stream.indirect_vreg.gather [hbm4b:s5+s4], $0x80, v3, vm0, $0xb8;
	[tilespmem:$0x16100] =	vst v63  }
0x54: {  	s23 =	simm.s32 $0xD900  }
0x55: {  	[tilespmem:s23], [sflag:$0x3] =	stream.indirect_vreg.gather [hbm4b:s10+s4], $0x80, v3, vm0, $0xb8;
	[tilespmem:$0x16100] =	vst v63  }
0x56: {  	v3 =	vld [tilespmem:$0x690];
	_ =	sdelay $0x4  }
0x57: {  	v62 =	vshll.u32 v3, $0x2  }
0x58: {  	v3 =	vand.u32 $0x7, v3;
	v4 =	vand.u32 $0xFFFFFFE0, v62  }
0x59: {  	v3 =	vor.u32 v3, v4  }
0x5a: {  	v4 =	vperm.xlane v3, v0;
	_ =	sdelay $0x1  }
0x5b: {  	v4 =	vadd.s32 v1, v4;
	_ =	sdelay $0x1  }
0x5c: {  	v3 =	vperm.xlane v3, v2;
	_ =	sdelay $0x1  }
0x5d: {  	s18 =	simm.s32 $0xE100;
	v3 =	vadd.s32 v1, v3  }
0x5e: {  	[tilespmem:s18], [sflag:$0x3] =	stream.indirect_vreg.gather [hbm4b:s5+s4], $0x80, v4, vm0, $0xb8;
	[tilespmem:$0x16100] =	vst v63  }
0x5f: {  	s19 =	simm.s32 $0xE900  }
0x60: {  	[tilespmem:s19], [sflag:$0x3] =	stream.indirect_vreg.gather [hbm4b:s10+s4], $0x80, v4, vm0, $0xb8;
	[tilespmem:$0x16100] =	vst v63  }
0x61: {  	s20 =	simm.s32 $0xF100  }
0x62: {  	[tilespmem:s20], [sflag:$0x3] =	stream.indirect_vreg.gather [hbm4b:s5+s4], $0x80, v3, vm0, $0xb8;
	[tilespmem:$0x16100] =	vst v63  }
0x63: {  	s21 =	simm.s32 $0xF900  }
0x64: {  	[tilespmem:s21], [sflag:$0x3] =	stream.indirect_vreg.gather [hbm4b:s10+s4], $0x80, v3, vm0, $0xb8;
	[tilespmem:$0x16100] =	vst v63  }
0x65: {  	v3 =	vld.msk [tilespmem:$0x6A0], $0xff;
	_ =	sdelay $0x4  }
0x66: {  	v63 =	vshll.u32 v3, $0x2  }
0x67: {  	v3 =	vand.u32 $0x7, v3;
	v4 =	vand.u32 $0xFFFFFFE0, v63  }
0x68: {  	v3 =	vor.u32 v3, v4  }
0x69: {  	v3 =	vperm.xlane v3, v0;
	_ =	sdelay $0x1  }
0x6a: {  	v3 =	vadd.s32 v1, v3;
	_ =	sdelay $0x3  }
0x6b: {  	s22 =	simm.s32 $0x10100  }
0x6c: {  	[tilespmem:s22], [sflag:$0x3] =	stream.indirect_vreg.gather [hbm4b:s5+s4], $0x80, v3, vm0, $0xb8;
	[tilespmem:$0x16100] =	vst v63  }
0x6d: {  	s17 =	simm.s32 $0x0;
	s23 =	simm.s32 $0x10900  }
0x6e: {  	[tilespmem:s23], [sflag:$0x3] =	stream.indirect_vreg.gather [hbm4b:s10+s4], $0x80, v3, vm0, $0xb8;
	[tilespmem:$0x16100] =	vst v63  }
.LBB2_2:
0x6f: {  	p0 =	seq.s32 s17, $0x0  }
0x70: {  	s18 =	sshll.u32 s17, $0x1;
	s19 =	simm.s32 @!p0 $0x6  }
0x71: {  	s18 =	sor.u32 $0x1, s18;
	_ =	swait.ge @!p0 [sflag:s19], $0x5000  }
0x72: {  	s20 =	smul.u32 $0x28, s18;
	[sflag:s19] =	ssyncset.done @!p0 $0x0  }
0x73: {  	[sflag:s19] =	ssyncadd.s32 @!p0 $0xFFFFB000  }
0x74: {  	v3 =	vld [tilespmem:s20+$0x0];
	_ =	sdelay $0x4  }
0x75: {  	v4 =	vshll.u32 v3, $0x2  }
0x76: {  	v3 =	vand.u32 $0x7, v3;
	v4 =	vand.u32 $0xFFFFFFE0, v4  }
0x77: {  	v3 =	vor.u32 v3, v4  }
0x78: {  	v4 =	vperm.xlane v3, v0;
	_ =	sdelay $0x1  }
0x79: {  	v4 =	vadd.s32 v1, v4;
	_ =	sdelay $0x1  }
0x7a: {  	v3 =	vperm.xlane v3, v2;
	_ =	sdelay $0x1  }
0x7b: {  	s19 =	simm.s32 $0x0;
	v3 =	vadd.s32 v1, v3  }
0x7c: {  	[tilespmem:s7], [sflag:$0x2] =	stream.indirect_vreg.gather [hbm4b:s2+s19], $0x80, v4, vm0, $0xb8;
	[tilespmem:$0x16100] =	vst v63  }
0x7d: {  	_ = 	snop  }
0x7e: {  	[tilespmem:s8], [sflag:$0x2] =	stream.indirect_vreg.gather [hbm4b:s9+s19], $0x80, v4, vm0, $0xb8;
	[tilespmem:$0x16100] =	vst v63  }
0x7f: {  	_ = 	snop  }
0x80: {  	[tilespmem:s12], [sflag:$0x2] =	stream.indirect_vreg.gather [hbm4b:s2+s19], $0x80, v3, vm0, $0xb8;
	[tilespmem:$0x16100] =	vst v63  }
0x81: {  	_ = 	snop  }
0x82: {  	[tilespmem:s13], [sflag:$0x2] =	stream.indirect_vreg.gather [hbm4b:s9+s19], $0x80, v3, vm0, $0xb8;
	[tilespmem:$0x16100] =	vst v63  }
0x83: {  	v3 =	vld [tilespmem:s20+$0x10];
	_ =	sdelay $0x4  }
0x84: {  	v4 =	vshll.u32 v3, $0x2  }
0x85: {  	v3 =	vand.u32 $0x7, v3;
	v4 =	vand.u32 $0xFFFFFFE0, v4  }
0x86: {  	v3 =	vor.u32 v3, v4  }
0x87: {  	v4 =	vperm.xlane v3, v0;
	_ =	sdelay $0x1  }
0x88: {  	v4 =	vadd.s32 v1, v4;
	_ =	sdelay $0x1  }
0x89: {  	v3 =	vperm.xlane v3, v2;
	_ =	sdelay $0x1  }
0x8a: {  	v3 =	vadd.s32 v1, v3  }
0x8b: {  	[tilespmem:s26], [sflag:$0x2] =	stream.indirect_vreg.gather [hbm4b:s2+s19], $0x80, v4, vm0, $0xb8;
	[tilespmem:$0x16100] =	vst v63  }
0x8c: {  	_ = 	snop  }
0x8d: {  	[tilespmem:s28], [sflag:$0x2] =	stream.indirect_vreg.gather [hbm4b:s9+s19], $0x80, v4, vm0, $0xb8;
	[tilespmem:$0x16100] =	vst v63  }
0x8e: {  	_ = 	snop  }
0x8f: {  	[tilespmem:s29], [sflag:$0x2] =	stream.indirect_vreg.gather [hbm4b:s2+s19], $0x80, v3, vm0, $0xb8;
	[tilespmem:$0x16100] =	vst v63  }
0x90: {  	_ = 	snop  }
0x91: {  	[tilespmem:s30], [sflag:$0x2] =	stream.indirect_vreg.gather [hbm4b:s9+s19], $0x80, v3, vm0, $0xb8;
	[tilespmem:$0x16100] =	vst v63  }
0x92: {  	v3 =	vld.msk [tilespmem:s20+$0x20], $0xff;
	_ =	sdelay $0x4  }
0x93: {  	v4 =	vshll.u32 v3, $0x2  }
0x94: {  	v3 =	vand.u32 $0x7, v3;
	v4 =	vand.u32 $0xFFFFFFE0, v4  }
0x95: {  	v3 =	vor.u32 v3, v4  }
0x96: {  	v3 =	vperm.xlane v3, v0;
	_ =	sdelay $0x1  }
0x97: {  	v3 =	vadd.s32 v1, v3;
	_ =	sdelay $0x4  }
0x98: {  	[tilespmem:s31], [sflag:$0x2] =	stream.indirect_vreg.gather [hbm4b:s2+s19], $0x80, v3, vm0, $0xb8;
	[tilespmem:$0x16100] =	vst v63  }
0x99: {  	_ = 	snop  }
0x9a: {  	[tilespmem:s1], [sflag:$0x2] =	stream.indirect_vreg.gather [hbm4b:s9+s19], $0x80, v3, vm0, $0xb8;
	[tilespmem:$0x16100] =	vst v63  }
0x9b: {  	v3 =	vld [tilespmem:s20+$0x680];
	_ =	sdelay $0x4  }
0x9c: {  	v4 =	vshll.u32 v3, $0x2  }
0x9d: {  	v3 =	vand.u32 $0x7, v3;
	v4 =	vand.u32 $0xFFFFFFE0, v4  }
0x9e: {  	v3 =	vor.u32 v3, v4  }
0x9f: {  	v4 =	vperm.xlane v3, v0;
	_ =	sdelay $0x1  }
0xa0: {  	v4 =	vadd.s32 v1, v4;
	_ =	sdelay $0x1  }
0xa1: {  	v3 =	vperm.xlane v3, v2;
	_ =	sdelay $0x1  }
0xa2: {  	s21 =	simm.s32 $0x11100;
	v3 =	vadd.s32 v1, v3  }
0xa3: {  	[tilespmem:s21], [sflag:$0x4] =	stream.indirect_vreg.gather [hbm4b:s5+s19], $0x80, v4, vm0, $0xb8;
	[tilespmem:$0x16100] =	vst v63  }
0xa4: {  	s22 =	simm.s32 $0x11900  }
0xa5: {  	[tilespmem:s22], [sflag:$0x4] =	stream.indirect_vreg.gather [hbm4b:s10+s19], $0x80, v4, vm0, $0xb8;
	[tilespmem:$0x16100] =	vst v63  }
0xa6: {  	s23 =	simm.s32 $0x12100  }
0xa7: {  	[tilespmem:s23], [sflag:$0x4] =	stream.indirect_vreg.gather [hbm4b:s5+s19], $0x80, v3, vm0, $0xb8;
	[tilespmem:$0x16100] =	vst v63  }
0xa8: {  	s22 =	simm.s32 $0x12900  }
0xa9: {  	[tilespmem:s22], [sflag:$0x4] =	stream.indirect_vreg.gather [hbm4b:s10+s19], $0x80, v3, vm0, $0xb8;
	[tilespmem:$0x16100] =	vst v63  }
0xaa: {  	v3 =	vld [tilespmem:s20+$0x690];
	_ =	sdelay $0x4  }
0xab: {  	v4 =	vshll.u32 v3, $0x2  }
0xac: {  	v3 =	vand.u32 $0x7, v3;
	v4 =	vand.u32 $0xFFFFFFE0, v4  }
0xad: {  	v3 =	vor.u32 v3, v4  }
0xae: {  	v4 =	vperm.xlane v3, v0;
	_ =	sdelay $0x1  }
0xaf: {  	v4 =	vadd.s32 v1, v4;
	_ =	sdelay $0x1  }
0xb0: {  	v3 =	vperm.xlane v3, v2;
	_ =	sdelay $0x1  }
0xb1: {  	s23 =	simm.s32 $0x13100;
	v3 =	vadd.s32 v1, v3  }
0xb2: {  	[tilespmem:s23], [sflag:$0x4] =	stream.indirect_vreg.gather [hbm4b:s5+s19], $0x80, v4, vm0, $0xb8;
	[tilespmem:$0x16100] =	vst v63  }
0xb3: {  	s22 =	simm.s32 $0x13900  }
0xb4: {  	[tilespmem:s22], [sflag:$0x4] =	stream.indirect_vreg.gather [hbm4b:s10+s19], $0x80, v4, vm0, $0xb8;
	[tilespmem:$0x16100] =	vst v63  }
0xb5: {  	s23 =	simm.s32 $0x14100  }
0xb6: {  	[tilespmem:s23], [sflag:$0x4] =	stream.indirect_vreg.gather [hbm4b:s5+s19], $0x80, v3, vm0, $0xb8;
	[tilespmem:$0x16100] =	vst v63  }
0xb7: {  	s22 =	simm.s32 $0x14900  }
0xb8: {  	[tilespmem:s22], [sflag:$0x4] =	stream.indirect_vreg.gather [hbm4b:s10+s19], $0x80, v3, vm0, $0xb8;
	[tilespmem:$0x16100] =	vst v63  }
0xb9: {  	v3 =	vld.msk [tilespmem:s20+$0x6A0], $0xff;
	_ =	sdelay $0x4  }
0xba: {  	v4 =	vshll.u32 v3, $0x2  }
0xbb: {  	v3 =	vand.u32 $0x7, v3;
	v4 =	vand.u32 $0xFFFFFFE0, v4  }
0xbc: {  	v3 =	vor.u32 v3, v4  }
0xbd: {  	v3 =	vperm.xlane v3, v0;
	_ =	sdelay $0x1  }
0xbe: {  	v3 =	vadd.s32 v1, v3;
	_ =	sdelay $0x3  }
0xbf: {  	s23 =	simm.s32 $0x15100  }
0xc0: {  	[tilespmem:s23], [sflag:$0x4] =	stream.indirect_vreg.gather [hbm4b:s5+s19], $0x80, v3, vm0, $0xb8;
	[tilespmem:$0x16100] =	vst v63  }
0xc1: {  	s21 =	simm.s32 $0x15900  }
0xc2: {  	[tilespmem:s21], [sflag:$0x4] =	stream.indirect_vreg.gather [hbm4b:s10+s19], $0x80, v3, vm0, $0xb8;
	[tilespmem:$0x16100] =	vst v63  }
0xc3: {  	_ =	swait.ge [sflag:s15], $0x5000  }
0xc4: {  	[sflag:s15] =	ssyncset.done $0x0  }
0xc5: {  	[sflag:s15] =	ssyncadd.s32 $0xFFFFB000  }
0xc6: {  	_ =	swait.ge [sflag:s6], $0x5000  }
0xc7: {  	s22 =	sand.u32 $0x7000, s19;
	s19 =	sand.u32 $0x380, s19;
	[sflag:s6] =	ssyncset.done $0x0  }
0xc8: {  	s19 =	sor.u32 s19, s22;
	[sflag:s6] =	ssyncadd.s32 $0xFFFFB000  }
0xc9: {  	v3 =	vld [tilespmem:s19+$0xCD70]  }
0xca: {  	v4 =	vld [tilespmem:s19+$0xC100]  }
0xcb: {  	v5 =	vld [tilespmem:s19+$0xC110]  }
0xcc: {  	v6 =	vld [tilespmem:s19+$0xC120]  }
0xcd: {  	v7 =	vld [tilespmem:s19+$0xC130]  }
0xce: {  	v8 =	vld [tilespmem:s19+$0xC140]  }
0xcf: {  	v9 =	vld [tilespmem:s19+$0xC150]  }
0xd0: {  	v10 =	vld [tilespmem:s19+$0xC160]  }
0xd1: {  	v11 =	vld [tilespmem:s19+$0xC170]  }
0xd2: {  	v12 =	vld [tilespmem:s19+$0xC500]  }
0xd3: {  	v13 =	vld [tilespmem:s19+$0xC510]  }
0xd4: {  	v14 =	vld [tilespmem:s19+$0xC520]  }
0xd5: {  	v15 =	vld [tilespmem:s19+$0xC530]  }
0xd6: {  	v16 =	vld [tilespmem:s19+$0xC540]  }
0xd7: {  	v17 =	vld [tilespmem:s19+$0xC550]  }
0xd8: {  	v18 =	vld [tilespmem:s19+$0xC560]  }
0xd9: {  	v19 =	vld [tilespmem:s19+$0xC570]  }
0xda: {  	v20 =	vld [tilespmem:s19+$0xC900]  }
0xdb: {  	v21 =	vld [tilespmem:s19+$0xC910]  }
0xdc: {  	v22 =	vld [tilespmem:s19+$0xC920]  }
0xdd: {  	v23 =	vld [tilespmem:s19+$0xC930]  }
0xde: {  	v24 =	vld [tilespmem:s19+$0xC940]  }
0xdf: {  	v25 =	vld [tilespmem:s19+$0xC950]  }
0xe0: {  	v26 =	vld [tilespmem:s19+$0xC960]  }
0xe1: {  	v27 =	vld [tilespmem:s19+$0xC970]  }
0xe2: {  	v28 =	vld [tilespmem:s19+$0xCD00]  }
0xe3: {  	v29 =	vld [tilespmem:s19+$0xCD10]  }
0xe4: {  	v30 =	vld [tilespmem:s19+$0xCD20]  }
0xe5: {  	v31 =	vld [tilespmem:s19+$0xCD30]  }
0xe6: {  	v32 =	vld [tilespmem:s19+$0xCD40]  }
0xe7: {  	v33 =	vld [tilespmem:s19+$0xCD50]  }
0xe8: {  	[tilespmem:s19+$0x2D70] =	vst.add.f32.msk $0xffff, v3  }
0xe9: {  	v3 =	vld [tilespmem:s19+$0xCD60]  }
0xea: {  	[tilespmem:s19+$0x2100] =	vst.add.f32.msk $0xffff, v4  }
0xeb: {  	[tilespmem:s19+$0x2110] =	vst.add.f32.msk $0xffff, v5  }
0xec: {  	[tilespmem:s19+$0x2120] =	vst.add.f32.msk $0xffff, v6  }
0xed: {  	[tilespmem:s19+$0x2130] =	vst.add.f32.msk $0xffff, v7  }
0xee: {  	[tilespmem:s19+$0x2140] =	vst.add.f32.msk $0xffff, v8  }
0xef: {  	[tilespmem:s19+$0x2150] =	vst.add.f32.msk $0xffff, v9  }
0xf0: {  	[tilespmem:s19+$0x2160] =	vst.add.f32.msk $0xffff, v10  }
0xf1: {  	[tilespmem:s19+$0x2170] =	vst.add.f32.msk $0xffff, v11  }
0xf2: {  	[tilespmem:s19+$0x2500] =	vst.add.f32.msk $0xffff, v12  }
0xf3: {  	[tilespmem:s19+$0x2510] =	vst.add.f32.msk $0xffff, v13  }
0xf4: {  	[tilespmem:s19+$0x2520] =	vst.add.f32.msk $0xffff, v14  }
0xf5: {  	[tilespmem:s19+$0x2530] =	vst.add.f32.msk $0xffff, v15  }
0xf6: {  	[tilespmem:s19+$0x2540] =	vst.add.f32.msk $0xffff, v16  }
0xf7: {  	[tilespmem:s19+$0x2550] =	vst.add.f32.msk $0xffff, v17  }
0xf8: {  	[tilespmem:s19+$0x2560] =	vst.add.f32.msk $0xffff, v18  }
0xf9: {  	[tilespmem:s19+$0x2570] =	vst.add.f32.msk $0xffff, v19  }
0xfa: {  	[tilespmem:s19+$0x2900] =	vst.add.f32.msk $0xffff, v20  }
0xfb: {  	[tilespmem:s19+$0x2910] =	vst.add.f32.msk $0xffff, v21  }
0xfc: {  	[tilespmem:s19+$0x2920] =	vst.add.f32.msk $0xffff, v22  }
0xfd: {  	[tilespmem:s19+$0x2930] =	vst.add.f32.msk $0xffff, v23  }
0xfe: {  	[tilespmem:s19+$0x2940] =	vst.add.f32.msk $0xffff, v24  }
0xff: {  	[tilespmem:s19+$0x2950] =	vst.add.f32.msk $0xffff, v25  }
0x100: {  	[tilespmem:s19+$0x2960] =	vst.add.f32.msk $0xffff, v26  }
0x101: {  	[tilespmem:s19+$0x2970] =	vst.add.f32.msk $0xffff, v27  }
0x102: {  	[tilespmem:s19+$0x2D00] =	vst.add.f32.msk $0xffff, v28  }
0x103: {  	[tilespmem:s19+$0x2D10] =	vst.add.f32.msk $0xffff, v29  }
0x104: {  	[tilespmem:s19+$0x2D20] =	vst.add.f32.msk $0xffff, v30  }
0x105: {  	[tilespmem:s19+$0x2D30] =	vst.add.f32.msk $0xffff, v31  }
0x106: {  	s20 =	simm.s32 $0x80;
	s23 =	simm.s32 $0x200;
	[tilespmem:s19+$0x2D40] =	vst.add.f32.msk $0xffff, v32  }
0x107: {  	s21 =	simm.s32 $0x400;
	s22 =	sand.u32 $0x7000, s23;
	s23 =	sand.u32 $0x380, s20;
	[tilespmem:s19+$0x2D50] =	vst.add.f32.msk $0xffff, v33  }
.LBB2_3:
0x108: {  	p0 =	sne.s32 s21, $0x4E00;
	[tilespmem:s19+$0x2D60] =	vst.add.f32.msk $0xffff, v3;
	s19 =	sor.u32 s23, s22  }
0x109: {  	v3 =	vld [tilespmem:s19+$0xCD70]  }
0x10a: {  	v4 =	vld [tilespmem:s19+$0xC100]  }
0x10b: {  	v5 =	vld [tilespmem:s19+$0xC110]  }
0x10c: {  	v6 =	vld [tilespmem:s19+$0xC120]  }
0x10d: {  	v7 =	vld [tilespmem:s19+$0xC130]  }
0x10e: {  	[tilespmem:s19+$0x2D70] =	vst.add.f32.msk $0xffff, v3  }
0x10f: {  	v8 =	vld [tilespmem:s19+$0xC140]  }
0x110: {  	v9 =	vld [tilespmem:s19+$0xC150]  }
0x111: {  	v10 =	vld [tilespmem:s19+$0xC160]  }
0x112: {  	v11 =	vld [tilespmem:s19+$0xC170]  }
0x113: {  	v12 =	vld [tilespmem:s19+$0xC500]  }
0x114: {  	v13 =	vld [tilespmem:s19+$0xC510]  }
0x115: {  	v14 =	vld [tilespmem:s19+$0xC520]  }
0x116: {  	v15 =	vld [tilespmem:s19+$0xC530]  }
0x117: {  	v16 =	vld [tilespmem:s19+$0xC540]  }
0x118: {  	v17 =	vld [tilespmem:s19+$0xC550]  }
0x119: {  	v18 =	vld [tilespmem:s19+$0xC560]  }
0x11a: {  	v19 =	vld [tilespmem:s19+$0xC570]  }
0x11b: {  	v20 =	vld [tilespmem:s19+$0xC900]  }
0x11c: {  	v21 =	vld [tilespmem:s19+$0xC910]  }
0x11d: {  	v22 =	vld [tilespmem:s19+$0xC920]  }
0x11e: {  	v23 =	vld [tilespmem:s19+$0xC930]  }
0x11f: {  	v24 =	vld [tilespmem:s19+$0xC940]  }
0x120: {  	v25 =	vld [tilespmem:s19+$0xC950]  }
0x121: {  	v26 =	vld [tilespmem:s19+$0xC960]  }
0x122: {  	v27 =	vld [tilespmem:s19+$0xC970]  }
0x123: {  	v28 =	vld [tilespmem:s19+$0xCD00]  }
0x124: {  	v29 =	vld [tilespmem:s19+$0xCD10]  }
0x125: {  	v30 =	vld [tilespmem:s19+$0xCD20]  }
0x126: {  	v31 =	vld [tilespmem:s19+$0xCD30]  }
0x127: {  	v32 =	vld [tilespmem:s19+$0xCD40]  }
0x128: {  	v33 =	vld [tilespmem:s19+$0xCD50]  }
0x129: {  	v3 =	vld [tilespmem:s19+$0xCD60]  }
0x12a: {  	[tilespmem:s19+$0x2100] =	vst.add.f32.msk $0xffff, v4  }
0x12b: {  	[tilespmem:s19+$0x2110] =	vst.add.f32.msk $0xffff, v5  }
0x12c: {  	[tilespmem:s19+$0x2120] =	vst.add.f32.msk $0xffff, v6  }
0x12d: {  	[tilespmem:s19+$0x2130] =	vst.add.f32.msk $0xffff, v7  }
0x12e: {  	[tilespmem:s19+$0x2140] =	vst.add.f32.msk $0xffff, v8  }
0x12f: {  	[tilespmem:s19+$0x2150] =	vst.add.f32.msk $0xffff, v9  }
0x130: {  	[tilespmem:s19+$0x2160] =	vst.add.f32.msk $0xffff, v10  }
0x131: {  	[tilespmem:s19+$0x2170] =	vst.add.f32.msk $0xffff, v11  }
0x132: {  	[tilespmem:s19+$0x2500] =	vst.add.f32.msk $0xffff, v12  }
0x133: {  	[tilespmem:s19+$0x2510] =	vst.add.f32.msk $0xffff, v13  }
0x134: {  	[tilespmem:s19+$0x2520] =	vst.add.f32.msk $0xffff, v14  }
0x135: {  	[tilespmem:s19+$0x2530] =	vst.add.f32.msk $0xffff, v15  }
0x136: {  	[tilespmem:s19+$0x2540] =	vst.add.f32.msk $0xffff, v16  }
0x137: {  	[tilespmem:s19+$0x2550] =	vst.add.f32.msk $0xffff, v17  }
0x138: {  	[tilespmem:s19+$0x2560] =	vst.add.f32.msk $0xffff, v18  }
0x139: {  	[tilespmem:s19+$0x2570] =	vst.add.f32.msk $0xffff, v19  }
0x13a: {  	[tilespmem:s19+$0x2900] =	vst.add.f32.msk $0xffff, v20  }
0x13b: {  	[tilespmem:s19+$0x2910] =	vst.add.f32.msk $0xffff, v21  }
0x13c: {  	[tilespmem:s19+$0x2920] =	vst.add.f32.msk $0xffff, v22  }
0x13d: {  	[tilespmem:s19+$0x2930] =	vst.add.f32.msk $0xffff, v23  }
0x13e: {  	[tilespmem:s19+$0x2940] =	vst.add.f32.msk $0xffff, v24  }
0x13f: {  	[tilespmem:s19+$0x2950] =	vst.add.f32.msk $0xffff, v25  }
0x140: {  	[tilespmem:s19+$0x2960] =	vst.add.f32.msk $0xffff, v26  }
0x141: {  	[tilespmem:s19+$0x2970] =	vst.add.f32.msk $0xffff, v27  }
0x142: {  	[tilespmem:s19+$0x2D00] =	vst.add.f32.msk $0xffff, v28  }
.Ltmp0:
0x143: {  	[tilespmem:s19+$0x2D10] =	vst.add.f32.msk $0xffff, v29;
	(pc) =	sbr.rel @p0 .LBB2_3-.Ltmp0, $4  }
0x144: {  	[tilespmem:s19+$0x2D20] =	vst.add.f32.msk $0xffff, v30  }
0x145: {  	[tilespmem:s19+$0x2D30] =	vst.add.f32.msk $0xffff, v31  }
0x146: {  	s20 =	sadd.s32 $0x80, s20;
	[tilespmem:s19+$0x2D40] =	vst.add.f32.msk $0xffff, v32  }
0x147: {  	s22 =	sand.u32 $0x7000, s21;
	s21 =	sadd.s32 $0x200, s21;
	s23 =	sand.u32 $0x380, s20;
	[tilespmem:s19+$0x2D50] =	vst.add.f32.msk $0xffff, v33  }
0x148: {  	s20 =	sor.u32 s23, s22;
	[tilespmem:s19+$0x2D60] =	vst.add.f32.msk $0xffff, v3  }
0x149: {  	v3 =	vld [tilespmem:s20+$0xCD70]  }
0x14a: {  	v4 =	vld [tilespmem:s20+$0xC100]  }
0x14b: {  	v5 =	vld [tilespmem:s20+$0xC110]  }
0x14c: {  	v6 =	vld [tilespmem:s20+$0xC120]  }
0x14d: {  	v7 =	vld [tilespmem:s20+$0xC130]  }
0x14e: {  	v8 =	vld [tilespmem:s20+$0xC150]  }
0x14f: {  	v9 =	vld [tilespmem:s20+$0xC160]  }
0x150: {  	v10 =	vld [tilespmem:s20+$0xC170]  }
0x151: {  	v11 =	vld [tilespmem:s20+$0xC500]  }
0x152: {  	v12 =	vld [tilespmem:s20+$0xC510]  }
0x153: {  	v13 =	vld [tilespmem:s20+$0xC520]  }
0x154: {  	v14 =	vld [tilespmem:s20+$0xC530]  }
0x155: {  	v15 =	vld [tilespmem:s20+$0xC540]  }
0x156: {  	v16 =	vld [tilespmem:s20+$0xC550]  }
0x157: {  	v17 =	vld [tilespmem:s20+$0xC560]  }
0x158: {  	v18 =	vld [tilespmem:s20+$0xC570]  }
0x159: {  	v19 =	vld [tilespmem:s20+$0xC900]  }
0x15a: {  	v20 =	vld [tilespmem:s20+$0xC910]  }
0x15b: {  	v21 =	vld [tilespmem:s20+$0xC920]  }
0x15c: {  	v22 =	vld [tilespmem:s20+$0xC930]  }
0x15d: {  	v23 =	vld [tilespmem:s20+$0xC940]  }
0x15e: {  	v24 =	vld [tilespmem:s20+$0xC950]  }
0x15f: {  	v25 =	vld [tilespmem:s20+$0xC960]  }
0x160: {  	v26 =	vld [tilespmem:s20+$0xC970]  }
0x161: {  	v27 =	vld [tilespmem:s20+$0xCD00]  }
0x162: {  	v28 =	vld [tilespmem:s20+$0xCD10]  }
0x163: {  	v29 =	vld [tilespmem:s20+$0xCD20]  }
0x164: {  	v30 =	vld [tilespmem:s20+$0xCD30]  }
0x165: {  	v31 =	vld [tilespmem:s20+$0xCD40]  }
0x166: {  	v32 =	vld [tilespmem:s20+$0xCD50]  }
0x167: {  	v33 =	vld [tilespmem:s20+$0xCD60]  }
0x168: {  	[tilespmem:s20+$0x2D70] =	vst.add.f32.msk $0xffff, v3  }
0x169: {  	v3 =	vld [tilespmem:s20+$0xC140]  }
0x16a: {  	[tilespmem:s20+$0x2100] =	vst.add.f32.msk $0xffff, v4  }
0x16b: {  	[tilespmem:s20+$0x2110] =	vst.add.f32.msk $0xffff, v5  }
0x16c: {  	[tilespmem:s20+$0x2120] =	vst.add.f32.msk $0xffff, v6  }
0x16d: {  	[tilespmem:s20+$0x2130] =	vst.add.f32.msk $0xffff, v7  }
0x16e: {  	[tilespmem:s20+$0x2150] =	vst.add.f32.msk $0xffff, v8  }
0x16f: {  	[tilespmem:s20+$0x2160] =	vst.add.f32.msk $0xffff, v9  }
0x170: {  	[tilespmem:s20+$0x2170] =	vst.add.f32.msk $0xffff, v10  }
0x171: {  	[tilespmem:s20+$0x2500] =	vst.add.f32.msk $0xffff, v11  }
0x172: {  	[tilespmem:s20+$0x2510] =	vst.add.f32.msk $0xffff, v12  }
0x173: {  	[tilespmem:s20+$0x2520] =	vst.add.f32.msk $0xffff, v13  }
0x174: {  	[tilespmem:s20+$0x2530] =	vst.add.f32.msk $0xffff, v14  }
0x175: {  	[tilespmem:s20+$0x2540] =	vst.add.f32.msk $0xffff, v15  }
0x176: {  	[tilespmem:s20+$0x2550] =	vst.add.f32.msk $0xffff, v16  }
0x177: {  	[tilespmem:s20+$0x2560] =	vst.add.f32.msk $0xffff, v17  }
0x178: {  	[tilespmem:s20+$0x2570] =	vst.add.f32.msk $0xffff, v18  }
0x179: {  	[tilespmem:s20+$0x2900] =	vst.add.f32.msk $0xffff, v19  }
0x17a: {  	[tilespmem:s20+$0x2910] =	vst.add.f32.msk $0xffff, v20  }
0x17b: {  	[tilespmem:s20+$0x2920] =	vst.add.f32.msk $0xffff, v21  }
0x17c: {  	[tilespmem:s20+$0x2930] =	vst.add.f32.msk $0xffff, v22  }
0x17d: {  	[tilespmem:s20+$0x2940] =	vst.add.f32.msk $0xffff, v23  }
0x17e: {  	[tilespmem:s20+$0x2950] =	vst.add.f32.msk $0xffff, v24  }
0x17f: {  	[tilespmem:s20+$0x2960] =	vst.add.f32.msk $0xffff, v25  }
0x180: {  	[tilespmem:s20+$0x2970] =	vst.add.f32.msk $0xffff, v26  }
0x181: {  	[tilespmem:s20+$0x2D00] =	vst.add.f32.msk $0xffff, v27  }
0x182: {  	[tilespmem:s20+$0x2D10] =	vst.add.f32.msk $0xffff, v28  }
0x183: {  	[tilespmem:s20+$0x2D20] =	vst.add.f32.msk $0xffff, v29  }
0x184: {  	[tilespmem:s20+$0x2D30] =	vst.add.f32.msk $0xffff, v30  }
0x185: {  	[tilespmem:s20+$0x2D40] =	vst.add.f32.msk $0xffff, v31  }
0x186: {  	[tilespmem:s20+$0x2D50] =	vst.add.f32.msk $0xffff, v32  }
0x187: {  	s21 =	sshll.u32 s17, $0x8;
	[tilespmem:s20+$0x2D60] =	vst.add.f32.msk $0xffff, v33  }
0x188: {  	s19 =	sand.u32 $0x3FFFFF00, s21;
	[tilespmem:s20+$0x2140] =	vst.add.f32.msk $0xffff, v3  }
0x189: {  	v3 =	vld [tilespmem:s19+$0xD00];
	_ =	sdelay $0x4  }
0x18a: {  	v61 =	vshll.u32 v3, $0x2  }
0x18b: {  	v3 =	vand.u32 $0x7, v3;
	v4 =	vand.u32 $0xFFFFFFE0, v61  }
0x18c: {  	v3 =	vor.u32 v3, v4  }
0x18d: {  	v4 =	vperm.xlane v3, v0;
	_ =	sdelay $0x1  }
0x18e: {  	v4 =	vadd.s32 v1, v4;
	_ =	sdelay $0x1  }
0x18f: {  	v3 =	vperm.xlane v3, v2;
	_ =	sdelay $0x1  }
0x190: {  	s22 =	simm.s32 $0x2100;
	v3 =	vadd.s32 v1, v3  }
0x191: {  	[hbm4b:s3+s4] =	stream.indirect_vreg.scatter [tilespmem:s22], [sflag:$0x5], $0x80, v4, vm0, $0xb8;
	[tilespmem:$0x16100] =	vst v63  }
0x192: {  	s23 =	simm.s32 $0x2900  }
0x193: {  	[hbm4b:s11+s4] =	stream.indirect_vreg.scatter [tilespmem:s23], [sflag:$0x5], $0x80, v4, vm0, $0xb8;
	[tilespmem:$0x16100] =	vst v63  }
0x194: {  	s21 =	simm.s32 $0x3100  }
0x195: {  	[hbm4b:s3+s4] =	stream.indirect_vreg.scatter [tilespmem:s21], [sflag:$0x5], $0x80, v3, vm0, $0xb8;
	[tilespmem:$0x16100] =	vst v63  }
0x196: {  	s22 =	simm.s32 $0x3900  }
0x197: {  	[hbm4b:s11+s4] =	stream.indirect_vreg.scatter [tilespmem:s22], [sflag:$0x5], $0x80, v3, vm0, $0xb8;
	[tilespmem:$0x16100] =	vst v63  }
0x198: {  	v3 =	vld [tilespmem:s19+$0xD10];
	_ =	sdelay $0x4  }
0x199: {  	v62 =	vshll.u32 v3, $0x2  }
0x19a: {  	v3 =	vand.u32 $0x7, v3;
	v4 =	vand.u32 $0xFFFFFFE0, v62  }
0x19b: {  	v3 =	vor.u32 v3, v4  }
0x19c: {  	v4 =	vperm.xlane v3, v0;
	_ =	sdelay $0x1  }
0x19d: {  	v4 =	vadd.s32 v1, v4;
	_ =	sdelay $0x1  }
0x19e: {  	v3 =	vperm.xlane v3, v2;
	_ =	sdelay $0x1  }
0x19f: {  	s23 =	simm.s32 $0x4100;
	v3 =	vadd.s32 v1, v3  }
0x1a0: {  	[hbm4b:s3+s4] =	stream.indirect_vreg.scatter [tilespmem:s23], [sflag:$0x5], $0x80, v4, vm0, $0xb8;
	[tilespmem:$0x16100] =	vst v63  }
0x1a1: {  	s21 =	simm.s32 $0x4900  }
0x1a2: {  	[hbm4b:s11+s4] =	stream.indirect_vreg.scatter [tilespmem:s21], [sflag:$0x5], $0x80, v4, vm0, $0xb8;
	[tilespmem:$0x16100] =	vst v63  }
0x1a3: {  	s22 =	simm.s32 $0x5100  }
0x1a4: {  	[hbm4b:s3+s4] =	stream.indirect_vreg.scatter [tilespmem:s22], [sflag:$0x5], $0x80, v3, vm0, $0xb8;
	[tilespmem:$0x16100] =	vst v63  }
0x1a5: {  	s23 =	simm.s32 $0x5900  }
0x1a6: {  	[hbm4b:s11+s4] =	stream.indirect_vreg.scatter [tilespmem:s23], [sflag:$0x5], $0x80, v3, vm0, $0xb8;
	[tilespmem:$0x16100] =	vst v63  }
0x1a7: {  	v3 =	vld.msk [tilespmem:s19+$0xD20], $0xff;
	_ =	sdelay $0x4  }
0x1a8: {  	v63 =	vshll.u32 v3, $0x2  }
0x1a9: {  	v3 =	vand.u32 $0x7, v3;
	v4 =	vand.u32 $0xFFFFFFE0, v63  }
0x1aa: {  	v3 =	vor.u32 v3, v4  }
0x1ab: {  	v3 =	vperm.xlane v3, v0;
	_ =	sdelay $0x1  }
0x1ac: {  	v3 =	vadd.s32 v1, v3;
	_ =	sdelay $0x1  }
0x1ad: {  	p0 =	seq.s32 s17, $0x13  }
.Ltmp1:
0x1ae: {  	_ = 	snop;
	(pc) =	sbr.rel @p0 .LBB2_6-.Ltmp1, $4  }
0x1af: {  	_ = 	snop  }
0x1b0: {  	[hbm4b:s3+s4] =	stream.indirect_vreg.scatter [tilespmem:s24], [sflag:$0x5], $0x80, v3, vm0, $0xb8;
	[tilespmem:$0x16100] =	vst v63  }
0x1b1: {  	_ = 	snop  }
0x1b2: {  	[hbm4b:s11+s4] =	stream.indirect_vreg.scatter [tilespmem:s25], [sflag:$0x5], $0x80, v3, vm0, $0xb8;
	[tilespmem:$0x16100] =	vst v63  }
0x1b3: {  	_ =	swait.ge [sflag:s16], $0x5000  }
0x1b4: {  	s19 =	smul.u32 $0x50, s17;
	[sflag:s16] =	ssyncset.done $0x0  }
0x1b5: {  	[sflag:s16] =	ssyncadd.s32 $0xFFFFB000  }
0x1b6: {  	v3 =	vld [tilespmem:s19+$0x50];
	_ =	sdelay $0x4  }
0x1b7: {  	v4 =	vshll.u32 v3, $0x2  }
0x1b8: {  	v3 =	vand.u32 $0x7, v3;
	v4 =	vand.u32 $0xFFFFFFE0, v4  }
0x1b9: {  	v3 =	vor.u32 v3, v4  }
0x1ba: {  	v4 =	vperm.xlane v3, v0;
	_ =	sdelay $0x1  }
0x1bb: {  	v4 =	vadd.s32 v1, v4;
	_ =	sdelay $0x1  }
0x1bc: {  	v3 =	vperm.xlane v3, v2;
	_ =	sdelay $0x1  }
0x1bd: {  	s20 =	simm.s32 $0x2100;
	v3 =	vadd.s32 v1, v3  }
0x1be: {  	[tilespmem:s20], [sflag:$0x1] =	stream.indirect_vreg.gather [hbm4b:s2+s4], $0x80, v4, vm0, $0xb8;
	[tilespmem:$0x16100] =	vst v63  }
0x1bf: {  	s22 =	simm.s32 $0x2900  }
0x1c0: {  	[tilespmem:s22], [sflag:$0x1] =	stream.indirect_vreg.gather [hbm4b:s9+s4], $0x80, v4, vm0, $0xb8;
	[tilespmem:$0x16100] =	vst v63  }
0x1c1: {  	s23 =	simm.s32 $0x3100  }
0x1c2: {  	[tilespmem:s23], [sflag:$0x1] =	stream.indirect_vreg.gather [hbm4b:s2+s4], $0x80, v3, vm0, $0xb8;
	[tilespmem:$0x16100] =	vst v63  }
0x1c3: {  	s21 =	simm.s32 $0x3900  }
0x1c4: {  	[tilespmem:s21], [sflag:$0x1] =	stream.indirect_vreg.gather [hbm4b:s9+s4], $0x80, v3, vm0, $0xb8;
	[tilespmem:$0x16100] =	vst v63  }
0x1c5: {  	v3 =	vld [tilespmem:s19+$0x60];
	_ =	sdelay $0x4  }
0x1c6: {  	v59 =	vshll.u32 v3, $0x2  }
0x1c7: {  	v3 =	vand.u32 $0x7, v3;
	v4 =	vand.u32 $0xFFFFFFE0, v59  }
0x1c8: {  	v3 =	vor.u32 v3, v4  }
0x1c9: {  	v4 =	vperm.xlane v3, v0;
	_ =	sdelay $0x1  }
0x1ca: {  	v4 =	vadd.s32 v1, v4;
	_ =	sdelay $0x1  }
0x1cb: {  	v3 =	vperm.xlane v3, v2;
	_ =	sdelay $0x1  }
0x1cc: {  	s22 =	simm.s32 $0x4100;
	v3 =	vadd.s32 v1, v3  }
0x1cd: {  	[tilespmem:s22], [sflag:$0x1] =	stream.indirect_vreg.gather [hbm4b:s2+s4], $0x80, v4, vm0, $0xb8;
	[tilespmem:$0x16100] =	vst v63  }
0x1ce: {  	s23 =	simm.s32 $0x4900  }
0x1cf: {  	[tilespmem:s23], [sflag:$0x1] =	stream.indirect_vreg.gather [hbm4b:s9+s4], $0x80, v4, vm0, $0xb8;
	[tilespmem:$0x16100] =	vst v63  }
0x1d0: {  	s21 =	simm.s32 $0x5100  }
0x1d1: {  	[tilespmem:s21], [sflag:$0x1] =	stream.indirect_vreg.gather [hbm4b:s2+s4], $0x80, v3, vm0, $0xb8;
	[tilespmem:$0x16100] =	vst v63  }
0x1d2: {  	s22 =	simm.s32 $0x5900  }
0x1d3: {  	[tilespmem:s22], [sflag:$0x1] =	stream.indirect_vreg.gather [hbm4b:s9+s4], $0x80, v3, vm0, $0xb8;
	[tilespmem:$0x16100] =	vst v63  }
0x1d4: {  	v3 =	vld.msk [tilespmem:s19+$0x70], $0xff;
	_ =	sdelay $0x4  }
0x1d5: {  	v60 =	vshll.u32 v3, $0x2  }
0x1d6: {  	v3 =	vand.u32 $0x7, v3;
	v4 =	vand.u32 $0xFFFFFFE0, v60  }
0x1d7: {  	v3 =	vor.u32 v3, v4  }
0x1d8: {  	v3 =	vperm.xlane v3, v0;
	_ =	sdelay $0x1  }
0x1d9: {  	v3 =	vadd.s32 v1, v3;
	_ =	sdelay $0x4  }
0x1da: {  	[tilespmem:s24], [sflag:$0x1] =	stream.indirect_vreg.gather [hbm4b:s2+s4], $0x80, v3, vm0, $0xb8;
	[tilespmem:$0x16100] =	vst v63  }
0x1db: {  	_ = 	snop  }
0x1dc: {  	[tilespmem:s25], [sflag:$0x1] =	stream.indirect_vreg.gather [hbm4b:s9+s4], $0x80, v3, vm0, $0xb8;
	[tilespmem:$0x16100] =	vst v63  }
0x1dd: {  	v3 =	vld [tilespmem:s19+$0x6D0];
	_ =	sdelay $0x4  }
0x1de: {  	v61 =	vshll.u32 v3, $0x2  }
0x1df: {  	v3 =	vand.u32 $0x7, v3;
	v4 =	vand.u32 $0xFFFFFFE0, v61  }
0x1e0: {  	v3 =	vor.u32 v3, v4  }
0x1e1: {  	v4 =	vperm.xlane v3, v0;
	_ =	sdelay $0x1  }
0x1e2: {  	v4 =	vadd.s32 v1, v4;
	_ =	sdelay $0x1  }
0x1e3: {  	v3 =	vperm.xlane v3, v2;
	_ =	sdelay $0x1  }
0x1e4: {  	s23 =	simm.s32 $0xC100;
	v3 =	vadd.s32 v1, v3  }
0x1e5: {  	[tilespmem:s23], [sflag:$0x3] =	stream.indirect_vreg.gather [hbm4b:s5+s4], $0x80, v4, vm0, $0xb8;
	[tilespmem:$0x16100] =	vst v63  }
0x1e6: {  	s21 =	simm.s32 $0xC900  }
0x1e7: {  	[tilespmem:s21], [sflag:$0x3] =	stream.indirect_vreg.gather [hbm4b:s10+s4], $0x80, v4, vm0, $0xb8;
	[tilespmem:$0x16100] =	vst v63  }
0x1e8: {  	s22 =	simm.s32 $0xD100  }
0x1e9: {  	[tilespmem:s22], [sflag:$0x3] =	stream.indirect_vreg.gather [hbm4b:s5+s4], $0x80, v3, vm0, $0xb8;
	[tilespmem:$0x16100] =	vst v63  }
0x1ea: {  	s23 =	simm.s32 $0xD900  }
0x1eb: {  	[tilespmem:s23], [sflag:$0x3] =	stream.indirect_vreg.gather [hbm4b:s10+s4], $0x80, v3, vm0, $0xb8;
	[tilespmem:$0x16100] =	vst v63  }
0x1ec: {  	v3 =	vld [tilespmem:s19+$0x6E0];
	_ =	sdelay $0x4  }
0x1ed: {  	v62 =	vshll.u32 v3, $0x2  }
0x1ee: {  	v3 =	vand.u32 $0x7, v3;
	v4 =	vand.u32 $0xFFFFFFE0, v62  }
0x1ef: {  	v3 =	vor.u32 v3, v4  }
0x1f0: {  	v4 =	vperm.xlane v3, v0;
	_ =	sdelay $0x1  }
0x1f1: {  	v4 =	vadd.s32 v1, v4;
	_ =	sdelay $0x1  }
0x1f2: {  	v3 =	vperm.xlane v3, v2;
	_ =	sdelay $0x1  }
0x1f3: {  	s21 =	simm.s32 $0xE100;
	v3 =	vadd.s32 v1, v3  }
0x1f4: {  	[tilespmem:s21], [sflag:$0x3] =	stream.indirect_vreg.gather [hbm4b:s5+s4], $0x80, v4, vm0, $0xb8;
	[tilespmem:$0x16100] =	vst v63  }
0x1f5: {  	s22 =	simm.s32 $0xE900  }
0x1f6: {  	[tilespmem:s22], [sflag:$0x3] =	stream.indirect_vreg.gather [hbm4b:s10+s4], $0x80, v4, vm0, $0xb8;
	[tilespmem:$0x16100] =	vst v63  }
0x1f7: {  	s23 =	simm.s32 $0xF100  }
0x1f8: {  	[tilespmem:s23], [sflag:$0x3] =	stream.indirect_vreg.gather [hbm4b:s5+s4], $0x80, v3, vm0, $0xb8;
	[tilespmem:$0x16100] =	vst v63  }
0x1f9: {  	s21 =	simm.s32 $0xF900  }
0x1fa: {  	[tilespmem:s21], [sflag:$0x3] =	stream.indirect_vreg.gather [hbm4b:s10+s4], $0x80, v3, vm0, $0xb8;
	[tilespmem:$0x16100] =	vst v63  }
0x1fb: {  	v3 =	vld.msk [tilespmem:s19+$0x6F0], $0xff;
	_ =	sdelay $0x4  }
0x1fc: {  	v63 =	vshll.u32 v3, $0x2  }
0x1fd: {  	v3 =	vand.u32 $0x7, v3;
	v4 =	vand.u32 $0xFFFFFFE0, v63  }
0x1fe: {  	v3 =	vor.u32 v3, v4  }
0x1ff: {  	v3 =	vperm.xlane v3, v0;
	_ =	sdelay $0x1  }
0x200: {  	v3 =	vadd.s32 v1, v3;
	_ =	sdelay $0x3  }
0x201: {  	s22 =	simm.s32 $0x10100  }
0x202: {  	[tilespmem:s22], [sflag:$0x3] =	stream.indirect_vreg.gather [hbm4b:s5+s4], $0x80, v3, vm0, $0xb8;
	[tilespmem:$0x16100] =	vst v63  }
0x203: {  	s23 =	simm.s32 $0x10900  }
0x204: {  	[tilespmem:s23], [sflag:$0x3] =	stream.indirect_vreg.gather [hbm4b:s10+s4], $0x80, v3, vm0, $0xb8;
	[tilespmem:$0x16100] =	vst v63  }
.LBB2_6:
0x205: {  	_ =	swait.ge [sflag:s0], $0x5000  }
0x206: {  	[sflag:s0] =	ssyncset.done $0x0  }
0x207: {  	s19 =	simm.s32 $0x0;
	[sflag:s0] =	ssyncadd.s32 $0xFFFFB000  }
0x208: {  	s20 =	sand.u32 $0x7000, s19;
	s19 =	sand.u32 $0x380, s19;
	_ =	swait.ge [sflag:s14], $0x5000  }
0x209: {  	s19 =	sor.u32 s19, s20;
	[sflag:s14] =	ssyncset.done $0x0  }
0x20a: {  	s20 =	sadd.s32 $0x5000, s19;
	[sflag:s14] =	ssyncadd.s32 $0xFFFFB000  }
0x20b: {  	v3 =	vld [tilespmem:s20+$0xC100];
	_ =	sdelay $0x4  }
0x20c: {  	[tilespmem:s19+$0x7100] =	vst.add.f32.msk $0xffff, v3  }
0x20d: {  	v3 =	vld [tilespmem:s20+$0xC110];
	_ =	sdelay $0x4  }
0x20e: {  	[tilespmem:s19+$0x7110] =	vst.add.f32.msk $0xffff, v3  }
0x20f: {  	v3 =	vld [tilespmem:s20+$0xC120];
	_ =	sdelay $0x4  }
0x210: {  	[tilespmem:s19+$0x7120] =	vst.add.f32.msk $0xffff, v3  }
0x211: {  	v3 =	vld [tilespmem:s20+$0xC130];
	_ =	sdelay $0x4  }
0x212: {  	[tilespmem:s19+$0x7130] =	vst.add.f32.msk $0xffff, v3  }
0x213: {  	v3 =	vld [tilespmem:s20+$0xC140];
	_ =	sdelay $0x4  }
0x214: {  	[tilespmem:s19+$0x7140] =	vst.add.f32.msk $0xffff, v3  }
0x215: {  	v3 =	vld [tilespmem:s20+$0xC150];
	_ =	sdelay $0x4  }
0x216: {  	[tilespmem:s19+$0x7150] =	vst.add.f32.msk $0xffff, v3  }
0x217: {  	v3 =	vld [tilespmem:s20+$0xC160];
	_ =	sdelay $0x4  }
0x218: {  	[tilespmem:s19+$0x7160] =	vst.add.f32.msk $0xffff, v3  }
0x219: {  	v3 =	vld [tilespmem:s20+$0xC170];
	_ =	sdelay $0x4  }
0x21a: {  	s22 =	sadd.s32 $0x5400, s19;
	[tilespmem:s19+$0x7170] =	vst.add.f32.msk $0xffff, v3  }
0x21b: {  	v3 =	vld [tilespmem:s22+$0xC100];
	_ =	sdelay $0x4  }
0x21c: {  	[tilespmem:s19+$0x7500] =	vst.add.f32.msk $0xffff, v3  }
0x21d: {  	v3 =	vld [tilespmem:s22+$0xC110];
	_ =	sdelay $0x4  }
0x21e: {  	[tilespmem:s19+$0x7510] =	vst.add.f32.msk $0xffff, v3  }
0x21f: {  	v3 =	vld [tilespmem:s22+$0xC120];
	_ =	sdelay $0x4  }
0x220: {  	[tilespmem:s19+$0x7520] =	vst.add.f32.msk $0xffff, v3  }
0x221: {  	v3 =	vld [tilespmem:s22+$0xC130];
	_ =	sdelay $0x4  }
0x222: {  	[tilespmem:s19+$0x7530] =	vst.add.f32.msk $0xffff, v3  }
0x223: {  	v3 =	vld [tilespmem:s22+$0xC140];
	_ =	sdelay $0x4  }
0x224: {  	[tilespmem:s19+$0x7540] =	vst.add.f32.msk $0xffff, v3  }
0x225: {  	v3 =	vld [tilespmem:s22+$0xC150];
	_ =	sdelay $0x4  }
0x226: {  	[tilespmem:s19+$0x7550] =	vst.add.f32.msk $0xffff, v3  }
0x227: {  	v3 =	vld [tilespmem:s22+$0xC160];
	_ =	sdelay $0x4  }
0x228: {  	[tilespmem:s19+$0x7560] =	vst.add.f32.msk $0xffff, v3  }
0x229: {  	v3 =	vld [tilespmem:s22+$0xC170];
	_ =	sdelay $0x4  }
0x22a: {  	s23 =	sadd.s32 $0x5800, s19;
	[tilespmem:s19+$0x7570] =	vst.add.f32.msk $0xffff, v3  }
0x22b: {  	v3 =	vld [tilespmem:s23+$0xC100];
	_ =	sdelay $0x4  }
0x22c: {  	[tilespmem:s19+$0x7900] =	vst.add.f32.msk $0xffff, v3  }
0x22d: {  	v3 =	vld [tilespmem:s23+$0xC110];
	_ =	sdelay $0x4  }
0x22e: {  	[tilespmem:s19+$0x7910] =	vst.add.f32.msk $0xffff, v3  }
0x22f: {  	v3 =	vld [tilespmem:s23+$0xC120];
	_ =	sdelay $0x4  }
0x230: {  	[tilespmem:s19+$0x7920] =	vst.add.f32.msk $0xffff, v3  }
0x231: {  	v3 =	vld [tilespmem:s23+$0xC130];
	_ =	sdelay $0x4  }
0x232: {  	[tilespmem:s19+$0x7930] =	vst.add.f32.msk $0xffff, v3  }
0x233: {  	v3 =	vld [tilespmem:s23+$0xC140];
	_ =	sdelay $0x4  }
0x234: {  	[tilespmem:s19+$0x7940] =	vst.add.f32.msk $0xffff, v3  }
0x235: {  	v3 =	vld [tilespmem:s23+$0xC150];
	_ =	sdelay $0x4  }
0x236: {  	[tilespmem:s19+$0x7950] =	vst.add.f32.msk $0xffff, v3  }
0x237: {  	v3 =	vld [tilespmem:s23+$0xC160];
	_ =	sdelay $0x4  }
0x238: {  	[tilespmem:s19+$0x7960] =	vst.add.f32.msk $0xffff, v3  }
0x239: {  	v3 =	vld [tilespmem:s23+$0xC170];
	_ =	sdelay $0x4  }
0x23a: {  	s21 =	sadd.s32 $0x5C00, s19;
	[tilespmem:s19+$0x7970] =	vst.add.f32.msk $0xffff, v3  }
0x23b: {  	v3 =	vld [tilespmem:s21+$0xC100];
	_ =	sdelay $0x4  }
0x23c: {  	[tilespmem:s19+$0x7D00] =	vst.add.f32.msk $0xffff, v3  }
0x23d: {  	v3 =	vld [tilespmem:s21+$0xC110];
	_ =	sdelay $0x4  }
0x23e: {  	[tilespmem:s19+$0x7D10] =	vst.add.f32.msk $0xffff, v3  }
0x23f: {  	v3 =	vld [tilespmem:s21+$0xC120];
	_ =	sdelay $0x4  }
0x240: {  	[tilespmem:s19+$0x7D20] =	vst.add.f32.msk $0xffff, v3  }
0x241: {  	v3 =	vld [tilespmem:s21+$0xC130];
	_ =	sdelay $0x4  }
0x242: {  	[tilespmem:s19+$0x7D30] =	vst.add.f32.msk $0xffff, v3  }
0x243: {  	v3 =	vld [tilespmem:s21+$0xC140];
	_ =	sdelay $0x4  }
0x244: {  	[tilespmem:s19+$0x7D40] =	vst.add.f32.msk $0xffff, v3  }
0x245: {  	v3 =	vld [tilespmem:s21+$0xC150];
	_ =	sdelay $0x4  }
0x246: {  	[tilespmem:s19+$0x7D50] =	vst.add.f32.msk $0xffff, v3  }
0x247: {  	v3 =	vld [tilespmem:s21+$0xC160];
	_ =	sdelay $0x4  }
0x248: {  	[tilespmem:s19+$0x7D60] =	vst.add.f32.msk $0xffff, v3  }
0x249: {  	v3 =	vld [tilespmem:s21+$0xC170];
	_ =	sdelay $0x1  }
0x24a: {  	s17 =	sadd.s32 $0x1, s17;
	s20 =	simm.s32 $0x80;
	s22 =	simm.s32 $0x200  }
0x24b: {  	s22 =	sand.u32 $0x7000, s22;
	s23 =	sand.u32 $0x380, s20;
	s21 =	simm.s32 $0x400  }
.LBB2_7:
0x24c: {  	p0 =	sne.s32 s21, $0x4E00;
	s22 =	sor.u32 s23, s22  }
0x24d: {  	s23 =	sadd.s32 $0x5000, s22;
	[tilespmem:s19+$0x7D70] =	vst.add.f32.msk $0xffff, v3;
	s19 =	smov.u32 s22  }
0x24e: {  	v3 =	vld [tilespmem:s23+$0xC100];
	_ =	sdelay $0x4  }
0x24f: {  	[tilespmem:s19+$0x7100] =	vst.add.f32.msk $0xffff, v3  }
0x250: {  	v3 =	vld [tilespmem:s23+$0xC110];
	_ =	sdelay $0x4  }
0x251: {  	[tilespmem:s19+$0x7110] =	vst.add.f32.msk $0xffff, v3  }
0x252: {  	v3 =	vld [tilespmem:s23+$0xC120];
	_ =	sdelay $0x4  }
0x253: {  	[tilespmem:s19+$0x7120] =	vst.add.f32.msk $0xffff, v3  }
0x254: {  	v3 =	vld [tilespmem:s23+$0xC130];
	_ =	sdelay $0x4  }
0x255: {  	[tilespmem:s19+$0x7130] =	vst.add.f32.msk $0xffff, v3  }
0x256: {  	v3 =	vld [tilespmem:s23+$0xC140];
	_ =	sdelay $0x4  }
0x257: {  	[tilespmem:s19+$0x7140] =	vst.add.f32.msk $0xffff, v3  }
0x258: {  	v3 =	vld [tilespmem:s23+$0xC150];
	_ =	sdelay $0x4  }
0x259: {  	[tilespmem:s19+$0x7150] =	vst.add.f32.msk $0xffff, v3  }
0x25a: {  	v3 =	vld [tilespmem:s23+$0xC160];
	_ =	sdelay $0x4  }
0x25b: {  	[tilespmem:s19+$0x7160] =	vst.add.f32.msk $0xffff, v3  }
0x25c: {  	v3 =	vld [tilespmem:s23+$0xC170];
	_ =	sdelay $0x4  }
0x25d: {  	s22 =	sadd.s32 $0x5400, s19;
	[tilespmem:s19+$0x7170] =	vst.add.f32.msk $0xffff, v3  }
0x25e: {  	v3 =	vld [tilespmem:s22+$0xC100];
	_ =	sdelay $0x4  }
0x25f: {  	[tilespmem:s19+$0x7500] =	vst.add.f32.msk $0xffff, v3  }
0x260: {  	v3 =	vld [tilespmem:s22+$0xC110];
	_ =	sdelay $0x4  }
0x261: {  	[tilespmem:s19+$0x7510] =	vst.add.f32.msk $0xffff, v3  }
0x262: {  	v3 =	vld [tilespmem:s22+$0xC120];
	_ =	sdelay $0x4  }
0x263: {  	[tilespmem:s19+$0x7520] =	vst.add.f32.msk $0xffff, v3  }
0x264: {  	v3 =	vld [tilespmem:s22+$0xC130];
	_ =	sdelay $0x4  }
0x265: {  	[tilespmem:s19+$0x7530] =	vst.add.f32.msk $0xffff, v3  }
0x266: {  	v3 =	vld [tilespmem:s22+$0xC140];
	_ =	sdelay $0x4  }
0x267: {  	[tilespmem:s19+$0x7540] =	vst.add.f32.msk $0xffff, v3  }
0x268: {  	v3 =	vld [tilespmem:s22+$0xC150];
	_ =	sdelay $0x4  }
0x269: {  	[tilespmem:s19+$0x7550] =	vst.add.f32.msk $0xffff, v3  }
0x26a: {  	v3 =	vld [tilespmem:s22+$0xC160];
	_ =	sdelay $0x4  }
0x26b: {  	[tilespmem:s19+$0x7560] =	vst.add.f32.msk $0xffff, v3  }
0x26c: {  	v3 =	vld [tilespmem:s22+$0xC170];
	_ =	sdelay $0x4  }
0x26d: {  	s22 =	sadd.s32 $0x5800, s19;
	[tilespmem:s19+$0x7570] =	vst.add.f32.msk $0xffff, v3  }
0x26e: {  	v3 =	vld [tilespmem:s22+$0xC100];
	_ =	sdelay $0x4  }
0x26f: {  	[tilespmem:s19+$0x7900] =	vst.add.f32.msk $0xffff, v3  }
0x270: {  	v3 =	vld [tilespmem:s22+$0xC110];
	_ =	sdelay $0x4  }
0x271: {  	[tilespmem:s19+$0x7910] =	vst.add.f32.msk $0xffff, v3  }
0x272: {  	v3 =	vld [tilespmem:s22+$0xC120];
	_ =	sdelay $0x4  }
0x273: {  	[tilespmem:s19+$0x7920] =	vst.add.f32.msk $0xffff, v3  }
0x274: {  	v3 =	vld [tilespmem:s22+$0xC130];
	_ =	sdelay $0x4  }
0x275: {  	[tilespmem:s19+$0x7930] =	vst.add.f32.msk $0xffff, v3  }
0x276: {  	v3 =	vld [tilespmem:s22+$0xC140];
	_ =	sdelay $0x4  }
0x277: {  	[tilespmem:s19+$0x7940] =	vst.add.f32.msk $0xffff, v3  }
0x278: {  	v3 =	vld [tilespmem:s22+$0xC150];
	_ =	sdelay $0x4  }
0x279: {  	[tilespmem:s19+$0x7950] =	vst.add.f32.msk $0xffff, v3  }
0x27a: {  	v3 =	vld [tilespmem:s22+$0xC160];
	_ =	sdelay $0x4  }
0x27b: {  	[tilespmem:s19+$0x7960] =	vst.add.f32.msk $0xffff, v3  }
0x27c: {  	v3 =	vld [tilespmem:s22+$0xC170];
	_ =	sdelay $0x4  }
0x27d: {  	s22 =	sadd.s32 $0x5C00, s19;
	[tilespmem:s19+$0x7970] =	vst.add.f32.msk $0xffff, v3  }
0x27e: {  	v3 =	vld [tilespmem:s22+$0xC100];
	_ =	sdelay $0x4  }
0x27f: {  	[tilespmem:s19+$0x7D00] =	vst.add.f32.msk $0xffff, v3  }
0x280: {  	v3 =	vld [tilespmem:s22+$0xC110];
	_ =	sdelay $0x4  }
0x281: {  	[tilespmem:s19+$0x7D10] =	vst.add.f32.msk $0xffff, v3  }
0x282: {  	v3 =	vld [tilespmem:s22+$0xC120];
	_ =	sdelay $0x4  }
0x283: {  	[tilespmem:s19+$0x7D20] =	vst.add.f32.msk $0xffff, v3  }
0x284: {  	v3 =	vld [tilespmem:s22+$0xC130];
	_ =	sdelay $0x4  }
0x285: {  	[tilespmem:s19+$0x7D30] =	vst.add.f32.msk $0xffff, v3  }
0x286: {  	v3 =	vld [tilespmem:s22+$0xC140];
	_ =	sdelay $0x4  }
0x287: {  	[tilespmem:s19+$0x7D40] =	vst.add.f32.msk $0xffff, v3  }
0x288: {  	v3 =	vld [tilespmem:s22+$0xC150];
	_ =	sdelay $0x4  }
0x289: {  	[tilespmem:s19+$0x7D50] =	vst.add.f32.msk $0xffff, v3  }
0x28a: {  	v3 =	vld [tilespmem:s22+$0xC160];
	_ =	sdelay $0x4  }
.Ltmp2:
0x28b: {  	[tilespmem:s19+$0x7D60] =	vst.add.f32.msk $0xffff, v3;
	(pc) =	sbr.rel @p0 .LBB2_7-.Ltmp2, $3  }
0x28c: {  	v3 =	vld [tilespmem:s22+$0xC170];
	_ =	sdelay $0x1  }
0x28d: {  	s20 =	sadd.s32 $0x80, s20  }
0x28e: {  	s23 =	sand.u32 $0x380, s20;
	s22 =	sand.u32 $0x7000, s21;
	s21 =	sadd.s32 $0x200, s21  }
0x28f: {  	s20 =	sor.u32 s23, s22  }
0x290: {  	s21 =	sadd.s32 $0x5000, s20;
	[tilespmem:s19+$0x7D70] =	vst.add.f32.msk $0xffff, v3  }
0x291: {  	v3 =	vld [tilespmem:s21+$0xC100];
	_ =	sdelay $0x4  }
0x292: {  	[tilespmem:s20+$0x7100] =	vst.add.f32.msk $0xffff, v3  }
0x293: {  	v3 =	vld [tilespmem:s21+$0xC110];
	_ =	sdelay $0x4  }
0x294: {  	[tilespmem:s20+$0x7110] =	vst.add.f32.msk $0xffff, v3  }
0x295: {  	v3 =	vld [tilespmem:s21+$0xC120];
	_ =	sdelay $0x4  }
0x296: {  	[tilespmem:s20+$0x7120] =	vst.add.f32.msk $0xffff, v3  }
0x297: {  	v3 =	vld [tilespmem:s21+$0xC130];
	_ =	sdelay $0x4  }
0x298: {  	[tilespmem:s20+$0x7130] =	vst.add.f32.msk $0xffff, v3  }
0x299: {  	v3 =	vld [tilespmem:s21+$0xC140];
	_ =	sdelay $0x4  }
0x29a: {  	[tilespmem:s20+$0x7140] =	vst.add.f32.msk $0xffff, v3  }
0x29b: {  	v3 =	vld [tilespmem:s21+$0xC150];
	_ =	sdelay $0x4  }
0x29c: {  	[tilespmem:s20+$0x7150] =	vst.add.f32.msk $0xffff, v3  }
0x29d: {  	v3 =	vld [tilespmem:s21+$0xC160];
	_ =	sdelay $0x4  }
0x29e: {  	[tilespmem:s20+$0x7160] =	vst.add.f32.msk $0xffff, v3  }
0x29f: {  	v3 =	vld [tilespmem:s21+$0xC170];
	_ =	sdelay $0x4  }
0x2a0: {  	s21 =	sadd.s32 $0x5400, s20;
	[tilespmem:s20+$0x7170] =	vst.add.f32.msk $0xffff, v3  }
0x2a1: {  	v3 =	vld [tilespmem:s21+$0xC100];
	_ =	sdelay $0x4  }
0x2a2: {  	[tilespmem:s20+$0x7500] =	vst.add.f32.msk $0xffff, v3  }
0x2a3: {  	v3 =	vld [tilespmem:s21+$0xC110];
	_ =	sdelay $0x4  }
0x2a4: {  	[tilespmem:s20+$0x7510] =	vst.add.f32.msk $0xffff, v3  }
0x2a5: {  	v3 =	vld [tilespmem:s21+$0xC120];
	_ =	sdelay $0x4  }
0x2a6: {  	[tilespmem:s20+$0x7520] =	vst.add.f32.msk $0xffff, v3  }
0x2a7: {  	v3 =	vld [tilespmem:s21+$0xC130];
	_ =	sdelay $0x4  }
0x2a8: {  	[tilespmem:s20+$0x7530] =	vst.add.f32.msk $0xffff, v3  }
0x2a9: {  	v3 =	vld [tilespmem:s21+$0xC140];
	_ =	sdelay $0x4  }
0x2aa: {  	[tilespmem:s20+$0x7540] =	vst.add.f32.msk $0xffff, v3  }
0x2ab: {  	v3 =	vld [tilespmem:s21+$0xC150];
	_ =	sdelay $0x4  }
0x2ac: {  	[tilespmem:s20+$0x7550] =	vst.add.f32.msk $0xffff, v3  }
0x2ad: {  	v3 =	vld [tilespmem:s21+$0xC160];
	_ =	sdelay $0x4  }
0x2ae: {  	[tilespmem:s20+$0x7560] =	vst.add.f32.msk $0xffff, v3  }
0x2af: {  	v3 =	vld [tilespmem:s21+$0xC170];
	_ =	sdelay $0x4  }
0x2b0: {  	s22 =	sadd.s32 $0x5800, s20;
	[tilespmem:s20+$0x7570] =	vst.add.f32.msk $0xffff, v3  }
0x2b1: {  	v3 =	vld [tilespmem:s22+$0xC100];
	_ =	sdelay $0x4  }
0x2b2: {  	[tilespmem:s20+$0x7900] =	vst.add.f32.msk $0xffff, v3  }
0x2b3: {  	v3 =	vld [tilespmem:s22+$0xC110];
	_ =	sdelay $0x4  }
0x2b4: {  	[tilespmem:s20+$0x7910] =	vst.add.f32.msk $0xffff, v3  }
0x2b5: {  	v3 =	vld [tilespmem:s22+$0xC120];
	_ =	sdelay $0x4  }
0x2b6: {  	[tilespmem:s20+$0x7920] =	vst.add.f32.msk $0xffff, v3  }
0x2b7: {  	v3 =	vld [tilespmem:s22+$0xC130];
	_ =	sdelay $0x4  }
0x2b8: {  	[tilespmem:s20+$0x7930] =	vst.add.f32.msk $0xffff, v3  }
0x2b9: {  	v3 =	vld [tilespmem:s22+$0xC140];
	_ =	sdelay $0x4  }
0x2ba: {  	[tilespmem:s20+$0x7940] =	vst.add.f32.msk $0xffff, v3  }
0x2bb: {  	v3 =	vld [tilespmem:s22+$0xC150];
	_ =	sdelay $0x4  }
0x2bc: {  	[tilespmem:s20+$0x7950] =	vst.add.f32.msk $0xffff, v3  }
0x2bd: {  	v3 =	vld [tilespmem:s22+$0xC160];
	_ =	sdelay $0x4  }
0x2be: {  	[tilespmem:s20+$0x7960] =	vst.add.f32.msk $0xffff, v3  }
0x2bf: {  	v3 =	vld [tilespmem:s22+$0xC170];
	_ =	sdelay $0x4  }
0x2c0: {  	s23 =	sadd.s32 $0x5C00, s20;
	[tilespmem:s20+$0x7970] =	vst.add.f32.msk $0xffff, v3  }
0x2c1: {  	v3 =	vld [tilespmem:s23+$0xC100];
	_ =	sdelay $0x4  }
0x2c2: {  	[tilespmem:s20+$0x7D00] =	vst.add.f32.msk $0xffff, v3  }
0x2c3: {  	v3 =	vld [tilespmem:s23+$0xC110];
	_ =	sdelay $0x4  }
0x2c4: {  	[tilespmem:s20+$0x7D10] =	vst.add.f32.msk $0xffff, v3  }
0x2c5: {  	v3 =	vld [tilespmem:s23+$0xC120];
	_ =	sdelay $0x4  }
0x2c6: {  	[tilespmem:s20+$0x7D20] =	vst.add.f32.msk $0xffff, v3  }
0x2c7: {  	v3 =	vld [tilespmem:s23+$0xC130];
	_ =	sdelay $0x4  }
0x2c8: {  	[tilespmem:s20+$0x7D30] =	vst.add.f32.msk $0xffff, v3  }
0x2c9: {  	v3 =	vld [tilespmem:s23+$0xC140];
	_ =	sdelay $0x4  }
0x2ca: {  	[tilespmem:s20+$0x7D40] =	vst.add.f32.msk $0xffff, v3  }
0x2cb: {  	v3 =	vld [tilespmem:s23+$0xC150];
	_ =	sdelay $0x4  }
0x2cc: {  	[tilespmem:s20+$0x7D50] =	vst.add.f32.msk $0xffff, v3  }
0x2cd: {  	v3 =	vld [tilespmem:s23+$0xC160];
	_ =	sdelay $0x4  }
0x2ce: {  	[tilespmem:s20+$0x7D60] =	vst.add.f32.msk $0xffff, v3  }
0x2cf: {  	v3 =	vld [tilespmem:s23+$0xC170];
	_ =	sdelay $0x3  }
0x2d0: {  	s18 =	sshll.u32 s18, $0x7  }
0x2d1: {  	s18 =	sand.u32 $0x3FFFFF80, s18;
	[tilespmem:s20+$0x7D70] =	vst.add.f32.msk $0xffff, v3  }
0x2d2: {  	v3 =	vld [tilespmem:s18+$0xD00];
	_ =	sdelay $0x4  }
0x2d3: {  	v4 =	vshll.u32 v3, $0x2  }
0x2d4: {  	v3 =	vand.u32 $0x7, v3;
	v4 =	vand.u32 $0xFFFFFFE0, v4  }
0x2d5: {  	v3 =	vor.u32 v3, v4  }
0x2d6: {  	v4 =	vperm.xlane v3, v0;
	_ =	sdelay $0x1  }
0x2d7: {  	v4 =	vadd.s32 v1, v4;
	_ =	sdelay $0x1  }
0x2d8: {  	v3 =	vperm.xlane v3, v2;
	_ =	sdelay $0x1  }
0x2d9: {  	v3 =	vadd.s32 v1, v3  }
0x2da: {  	[hbm4b:s3+s4] =	stream.indirect_vreg.scatter [tilespmem:s7], [sflag:$0x6], $0x80, v4, vm0, $0xb8;
	[tilespmem:$0x16100] =	vst v63  }
0x2db: {  	_ = 	snop  }
0x2dc: {  	[hbm4b:s11+s4] =	stream.indirect_vreg.scatter [tilespmem:s8], [sflag:$0x6], $0x80, v4, vm0, $0xb8;
	[tilespmem:$0x16100] =	vst v63  }
0x2dd: {  	_ = 	snop  }
0x2de: {  	[hbm4b:s3+s4] =	stream.indirect_vreg.scatter [tilespmem:s12], [sflag:$0x6], $0x80, v3, vm0, $0xb8;
	[tilespmem:$0x16100] =	vst v63  }
0x2df: {  	_ = 	snop  }
0x2e0: {  	[hbm4b:s11+s4] =	stream.indirect_vreg.scatter [tilespmem:s13], [sflag:$0x6], $0x80, v3, vm0, $0xb8;
	[tilespmem:$0x16100] =	vst v63  }
0x2e1: {  	v3 =	vld [tilespmem:s18+$0xD10];
	_ =	sdelay $0x4  }
0x2e2: {  	v62 =	vshll.u32 v3, $0x2  }
0x2e3: {  	v3 =	vand.u32 $0x7, v3;
	v4 =	vand.u32 $0xFFFFFFE0, v62  }
0x2e4: {  	v3 =	vor.u32 v3, v4  }
0x2e5: {  	v4 =	vperm.xlane v3, v0;
	_ =	sdelay $0x1  }
0x2e6: {  	v4 =	vadd.s32 v1, v4;
	_ =	sdelay $0x1  }
0x2e7: {  	v3 =	vperm.xlane v3, v2;
	_ =	sdelay $0x1  }
0x2e8: {  	v3 =	vadd.s32 v1, v3  }
0x2e9: {  	[hbm4b:s3+s4] =	stream.indirect_vreg.scatter [tilespmem:s26], [sflag:$0x6], $0x80, v4, vm0, $0xb8;
	[tilespmem:$0x16100] =	vst v63  }
0x2ea: {  	_ = 	snop  }
0x2eb: {  	[hbm4b:s11+s4] =	stream.indirect_vreg.scatter [tilespmem:s28], [sflag:$0x6], $0x80, v4, vm0, $0xb8;
	[tilespmem:$0x16100] =	vst v63  }
0x2ec: {  	_ = 	snop  }
0x2ed: {  	[hbm4b:s3+s4] =	stream.indirect_vreg.scatter [tilespmem:s29], [sflag:$0x6], $0x80, v3, vm0, $0xb8;
	[tilespmem:$0x16100] =	vst v63  }
0x2ee: {  	_ = 	snop  }
0x2ef: {  	[hbm4b:s11+s4] =	stream.indirect_vreg.scatter [tilespmem:s30], [sflag:$0x6], $0x80, v3, vm0, $0xb8;
	[tilespmem:$0x16100] =	vst v63  }
0x2f0: {  	v3 =	vld.msk [tilespmem:s18+$0xD20], $0xff;
	_ =	sdelay $0x4  }
0x2f1: {  	v63 =	vshll.u32 v3, $0x2  }
0x2f2: {  	v3 =	vand.u32 $0x7, v3;
	v4 =	vand.u32 $0xFFFFFFE0, v63  }
0x2f3: {  	v3 =	vor.u32 v3, v4  }
0x2f4: {  	v3 =	vperm.xlane v3, v0;
	_ =	sdelay $0x1  }
0x2f5: {  	v3 =	vadd.s32 v1, v3;
	_ =	sdelay $0x1  }
0x2f6: {  	p0 =	sne.s32 s17, $0x14  }
.Ltmp3:
0x2f7: {  	_ = 	snop;
	(pc) =	sbr.rel @p0 .LBB2_2-.Ltmp3, $4  }
0x2f8: {  	_ = 	snop  }
0x2f9: {  	[hbm4b:s3+s4] =	stream.indirect_vreg.scatter [tilespmem:s31], [sflag:$0x6], $0x80, v3, vm0, $0xb8;
	[tilespmem:$0x16100] =	vst v63  }
0x2fa: {  	_ = 	snop  }
0x2fb: {  	[hbm4b:s11+s4] =	stream.indirect_vreg.scatter [tilespmem:s1], [sflag:$0x6], $0x80, v3, vm0, $0xb8;
	[tilespmem:$0x16100] =	vst v63  }
0x2fc: {  	_ =	swait.ge [sflag:s16], $0x5000  }
0x2fd: {  	[sflag:s16] =	ssyncset.done $0x0  }
0x2fe: {  	s18 =	simm.s32 $0x6;
	[sflag:s16] =	ssyncadd.s32 $0xFFFFB000  }
0x2ff: {  	_ =	swait.ge [sflag:s18], $0x5000  }
0x300: {  	s19 =	rddreg [dreg:$0x8]  }
0x301: {  	s17 =	rddreg [dreg:$0x7];
	s19 =	sadd.s32 $0x1, s19  }
0x302: {  	p0 =	sne.s32 s19, s17  }
.Ltmp4:
0x303: {  	_ = 	snop;
	(pc) =	sbr.rel @p0 .LBB2_1-.Ltmp4, $3  }
0x304: {  	_ =	sdelay $0x1  }
0x305: {  	[sflag:s18] =	ssyncset.done $0x0  }
0x306: {  	[sflag:s18] =	ssyncadd.s32 $0xFFFFB000  }
0x307: {  	_ =	sfence.sel $0x180000  }
0x308: {  	[bflag:$0x0] =	sbarrier.arrive $0xFFFF  }
0x309: {  	_ =	strace $0x90000047  }
0x30a: {  	s0 =	stileid.u32;
	[bflag:$0x2] =	sbarrier.arrive $0xFFFF  }
0x30b: {  	p0 =	sne.s32 s0, $0x0;
	s0 =	rddreg [dreg:$0x3]  }
0x30c: {  	s0 =	sadd.s32 @!p0 $0x100000, s0  }
0x30d: {  	[sflag:s0] =	ssyncadd.tile.s32 @!p0 $0x1;
	_ =	shalt  }
.Lfunc_end2:
_tile_overlayer_lowered:
.L_overlay_start_2:
0x30e: {  	(tag) =	ssettag $0x2  }
0x30f: {  	s0 =	rddreg [dreg:$0x0];
	s2 =	stileid.u32  }
0x310: {  	s1 =	rddreg [dreg:$0x1];
	p0 =	sne.s32 s2, $0x0  }
0x311: {  	s3 =	rddreg [dreg:$0x2];
	[bflag:$0x3] =	sbarrier.arrive $0xFFFF;
	s2 =	simm.s32 @!p0 $0x1C07  }
0x312: {  	[timem:s3], [sflag:s2] =	dma.local @!p0 [hbm:s0], s1  }
0x313: {  	s0 =	simm.s32 @!p0 $0x7  }
0x314: {  	_ =	swait.ge @!p0 [sflag:s0], s1  }
0x315: {  	s1 =	ssub.s32 @!p0 $0x0, s1;
	[sflag:s0] =	ssyncset.done @!p0 $0x0  }
0x316: {  	[sflag:s0] =	ssyncadd.s32 @!p0 s1  }
0x317: {  	[bflag:$0x3] =	sbarrier.arrive $0xFFFF  }
0x318: {  	_ =	shalt  }

</sc_bundles>
